<compile_context>
chip_gen: v7x
topology: tpu7x:2x2x1
jax: 0.10.2.dev20260603
libtpu: 0.0.44.dev20260713+nightly
codegen_flags: <defaults>
</compile_context>

<pallas_src>
import functools
import math

import jax
import jax.numpy as jnp
import numpy as np
from jax import lax
from jax.experimental import pallas as pl
from jax.experimental.pallas import tpu as pltpu
from jax.experimental.pallas import tpu_sc as plsc

HIDDEN = 384
NHEADS = 8
DH = HIDDEN // NHEADS
DP = 128
HP = NHEADS * DP
CLUSTER_SIZE = 64
L = 4096
NBLK = L // 128
SCALE = 1.0 / math.sqrt(DH)
EPS = 1e-5


def _static_plan():
    n_cluster = max(1, L // CLUSTER_SIZE)
    labels = np.random.RandomState(0).randint(0, n_cluster, size=L)
    index = np.argsort(labels, kind="stable")
    window_sizes = np.bincount(labels).tolist()
    new_sizes = []
    for size in window_sizes:
        if size >= CLUSTER_SIZE * 2:
            num_splits = max(1, size // CLUSTER_SIZE)
            q, r = divmod(size, num_splits)
            new_sizes.extend([q + 1 if i < r else q for i in range(num_splits)])
        else:
            new_sizes.append(size)
    sizes = [s for s in new_sizes if s > 0]
    return index.astype(np.int32), sizes


_PERM_NP, _SIZES = _static_plan()
NWIN = len(_SIZES)

_SEG_NP = np.repeat(np.arange(NWIN, dtype=np.int32), _SIZES)

_SEGQ_NP = _SEG_NP.reshape(NBLK, 128, 1)

_SEGK_NP = np.full((NBLK, 1, 3 * 128), -1, dtype=np.int32)
for _i in range(NBLK):
    _lo = (_i - 1) * 128
    _hi = (_i + 2) * 128
    _s = max(_lo, 0)
    _e = min(_hi, L)
    _SEGK_NP[_i, 0, _s - _lo:_e - _lo] = _SEG_NP[_s:_e]

_SMATT_NP = np.zeros((NBLK, NWIN, 128), dtype=np.float32)
for _i in range(NBLK):
    for _r in range(128):
        _w = _SEG_NP[_i * 128 + _r]
        _SMATT_NP[_i, _w, _r] = 1.0 / _SIZES[_w]

_BIASROT_NP = np.full((NBLK // 2, 256, 4 * 128), -1e30, dtype=np.float32)
for _B in range(NBLK // 2):
    _mq = _SEG_NP[_B * 256:(_B + 1) * 256][:, None]
    for _t, _c in enumerate(range(2 * _B - 1, 2 * _B + 3)):
        if 0 <= _c < NBLK:
            _mk = _SEG_NP[_c * 128:(_c + 1) * 128][None, :]
            _BIASROT_NP[_B][:, _t * 128:(_t + 1) * 128] = np.where(
                _mq == _mk, 0.0, -1e30)

_SMATT2_NP = np.zeros((NBLK // 2, NWIN, 256), dtype=np.float32)
for _B in range(NBLK // 2):
    for _r in range(256):
        _w = _SEG_NP[_B * 256 + _r]
        _SMATT2_NP[_B, _w, _r] = 1.0 / _SIZES[_w]


def _nt(a, b):
    return lax.dot_general(a, b, (((1,), (1,)), ((), ())),
                           preferred_element_type=jnp.float32)


def _bf(t):
    return t.astype(jnp.bfloat16)


def _sc_gather(x2d, idx):
    rows_per_w = L // 32
    mesh = plsc.VectorSubcoreMesh(core_axis_name="c", subcore_axis_name="s",
                                  num_cores=2, num_subcores=16)

    @functools.partial(
        pl.kernel,
        out_type=jax.ShapeDtypeStruct((L, HIDDEN), jnp.float32),
        mesh=mesh,
        scratch_types=[
            pltpu.VMEM((rows_per_w,), jnp.int32),
            pltpu.VMEM((rows_per_w, HIDDEN), jnp.float32),
            pltpu.SemaphoreType.DMA,
        ],
    )
    def body(x_hbm, idx_hbm, out_hbm, idx_v, rows_v, sem):
        wid = lax.axis_index("s") * 2 + lax.axis_index("c")
        base = wid * rows_per_w
        pltpu.sync_copy(idx_hbm.at[pl.ds(base, rows_per_w)], idx_v)
        pltpu.async_copy(x_hbm.at[idx_v], rows_v, sem).wait()
        pltpu.sync_copy(rows_v, out_hbm.at[pl.ds(base, rows_per_w)])

    return body(x2d, idx)


def _attend_padded(xq_bf, xkv_bf, wqp, wkp, wvp, bqp, bkp, bvp, wop, mask):
    q = _bf(_nt(xq_bf, wqp) + bqp)
    k = _bf(_nt(xkv_bf, wkp) + bkp)
    v = _bf(_nt(xkv_bf, wvp) + bvp)
    ones_bf = jnp.ones((xkv_bf.shape[0], DP), jnp.bfloat16)
    ohs = []
    for h in range(NHEADS):
        sl = slice(h * DP, (h + 1) * DP)
        s = _nt(q[:, sl], k[:, sl])
        if mask is not None:
            s = jnp.where(mask, s, -1e30)
        e = _bf(jnp.exp(s))
        oh = jnp.dot(e, v[:, sl], preferred_element_type=jnp.float32)
        den = jnp.dot(e, ones_bf, preferred_element_type=jnp.float32)
        ohs.append(_bf(oh / den))
    attn = jnp.concatenate(ohs, axis=1)
    return _nt(attn, wop)


def _layernorm(x, g, b):
    mu = jnp.mean(x, axis=1, keepdims=True)
    xc = x - mu
    var = jnp.mean(xc * xc, axis=1, keepdims=True)
    return xc * lax.rsqrt(var + EPS) * g + b


def _local_body(xs_a, xs_b, wqkvp, bqkvp, wop, bo, lg, lb,
                gwqkvp, gbqkvp, gwop, gbo, gg, gb, biasrot, smatt,
                refined_ref, vec_ref, qr_ref, kr_ref, vr_ref, acc_ref):
    g = pl.program_id(0)
    B = jnp.maximum(g - 1, 0)

    q_cur = jnp.concatenate(
        [qr_ref[lax.rem(2 * B, 8)], qr_ref[lax.rem(2 * B + 1, 8)]], axis=0)
    kslots = [lax.rem(2 * B - 1 + t + 8, 8) for t in range(4)]
    kall = jnp.concatenate([kr_ref[s] for s in kslots], axis=0)
    vall = jnp.concatenate([vr_ref[s] for s in kslots], axis=0)
    bias = biasrot[0]
    ones_bf = jnp.ones((4 * 128, DP), jnp.bfloat16)
    ohs = []
    for h in range(NHEADS):
        sl = slice(h * DP, (h + 1) * DP)
        s = _nt(q_cur[:, sl], kall[:, sl]) + bias
        e = _bf(jnp.exp(s))
        oh = jnp.dot(e, vall[:, sl], preferred_element_type=jnp.float32)
        den = jnp.dot(e, ones_bf, preferred_element_type=jnp.float32)
        ohs.append(_bf(oh / den))
    attn = jnp.concatenate(ohs, axis=1)
    o = _nt(attn, wop[...]) + bo[...]
    refined = _layernorm(xs_a[...] + o, lg[...], lb[...])
    refined_ref[...] = refined
    part = jnp.dot(smatt[0], _bf(refined), preferred_element_type=jnp.float32)

    wqkv = wqkvp[...]
    bqkv = bqkvp[...]

    def qkv_into_slots(x_bf, s0, s1):
        qkv = _nt(x_bf, wqkv) + bqkv
        qr_ref[s0] = _bf(qkv[:128, :HP])
        qr_ref[s1] = _bf(qkv[128:, :HP])
        kr_ref[s0] = _bf(qkv[:128, HP:2 * HP])
        kr_ref[s1] = _bf(qkv[128:, HP:2 * HP])
        vr_ref[s0] = _bf(qkv[:128, 2 * HP:])
        vr_ref[s1] = _bf(qkv[128:, 2 * HP:])

    qkv_into_slots(_bf(xs_b[...]), lax.rem(2 * g + 2, 8),
                   lax.rem(2 * g + 3, 8))

    b2 = g - 1

    @pl.when(b2 == 0)
    def _():
        acc_ref[...] = part

    @pl.when(b2 > 0)
    def _():
        acc_ref[...] = acc_ref[...] + part

    @pl.when(b2 == NBLK // 2 - 1)
    def _():
        rr = acc_ref[...]
        rr_bf = _bf(rr)
        gqkv = _nt(rr_bf, gwqkvp[...]) + gbqkvp[...]
        gq = _bf(gqkv[:, :HP])
        gk = _bf(gqkv[:, HP:2 * HP])
        gv = _bf(gqkv[:, 2 * HP:])
        gones = jnp.ones((NWIN, DP), jnp.bfloat16)
        gohs = []
        for h in range(NHEADS):
            sl = slice(h * DP, (h + 1) * DP)
            s = _nt(gq[:, sl], gk[:, sl])
            e = _bf(jnp.exp(s))
            oh = jnp.dot(e, gv[:, sl], preferred_element_type=jnp.float32)
            den = jnp.dot(e, gones, preferred_element_type=jnp.float32)
            gohs.append(_bf(oh / den))
        gattn = jnp.concatenate(gohs, axis=1)
        go = _nt(gattn, gwop[...]) + gbo[...]
        rp = _layernorm(rr + go, gg[...], gb[...])
        vec = jnp.mean(rp, axis=0, keepdims=True)
        vec_ref[...] = jnp.broadcast_to(vec, (8, HIDDEN))

    @pl.when(g == 0)
    def _():
        qkv_into_slots(_bf(xs_a[...]), 0, 1)
        kr_ref[7] = jnp.zeros((128, HP), jnp.bfloat16)
        vr_ref[7] = jnp.zeros((128, HP), jnp.bfloat16)


def _add_body(refined, vec, h_ref):
    h_ref[...] = refined[...] + vec[0:1, :]


def _pad_params(Wqkv, bqkv, Wo):
    wq, wk, wv = jnp.split(Wqkv, 3, axis=0)

    def padw(w, scale=1.0):
        w3 = (w * scale).reshape(NHEADS, DH, HIDDEN)
        w3 = jnp.pad(w3, ((0, 0), (0, DP - DH), (0, 0)))
        return _bf(w3.reshape(HP, HIDDEN))

    bq, bk, bv = jnp.split(bqkv, 3)

    def padb(b, scale=1.0):
        b2 = (b * scale).reshape(NHEADS, DH)
        b2 = jnp.pad(b2, ((0, 0), (0, DP - DH)))
        return b2.reshape(1, HP).astype(jnp.float32)

    wqkvp = jnp.concatenate([padw(wq, SCALE), padw(wk), padw(wv)], axis=0)
    bqkvp = jnp.concatenate([padb(bq, SCALE), padb(bk), padb(bv)], axis=1)
    wot = Wo.T.reshape(NHEADS, DH, HIDDEN)
    wot = jnp.pad(wot, ((0, 0), (0, DP - DH), (0, 0))).reshape(HP, HIDDEN)
    wop = _bf(wot.T)
    return wqkvp, bqkvp, wop


def _tc_pipeline(xs2d, l_Wqkv, l_bqkv, l_Wo, l_bo, l_g, l_b,
                 g_Wqkv, g_bqkv, g_Wo, g_bo, g_g, g_b, interpret=False):
    lwqkvp, lbqkvp, lwop = _pad_params(l_Wqkv, l_bqkv, l_Wo)
    gwqkvp, gbqkvp, gwop = _pad_params(g_Wqkv, g_bqkv, g_Wo)
    lbo = l_bo.reshape(1, HIDDEN)
    lg = l_g.reshape(1, HIDDEN)
    lb = l_b.reshape(1, HIDDEN)
    gbo = g_bo.reshape(1, HIDDEN)
    gg = g_g.reshape(1, HIDDEN)
    gb = g_b.reshape(1, HIDDEN)

    full = lambda shp: pl.BlockSpec(shp, lambda i: (0,) * len(shp))
    blk = lambda shp, im: pl.BlockSpec(shp, im)

    refined, vec = pl.pallas_call(
        _local_body,
        grid=(NBLK // 2 + 1,),
        in_specs=[
            blk((256, HIDDEN), lambda i: (jnp.maximum(i - 1, 0), 0)),
            blk((256, HIDDEN), lambda i: (jnp.minimum(i + 1, NBLK // 2 - 1), 0)),
            full((3 * HP, HIDDEN)), full((1, 3 * HP)), full((HIDDEN, HP)),
            full((1, HIDDEN)), full((1, HIDDEN)), full((1, HIDDEN)),
            full((3 * HP, HIDDEN)), full((1, 3 * HP)), full((HIDDEN, HP)),
            full((1, HIDDEN)), full((1, HIDDEN)), full((1, HIDDEN)),
            blk((1, 256, 4 * 128), lambda i: (jnp.maximum(i - 1, 0), 0, 0)),
            blk((1, NWIN, 256), lambda i: (jnp.maximum(i - 1, 0), 0, 0)),
        ],
        out_specs=[
            blk((256, HIDDEN), lambda i: (jnp.maximum(i - 1, 0), 0)),
            full((8, HIDDEN)),
        ],
        out_shape=[
            jax.ShapeDtypeStruct((L, HIDDEN), jnp.float32),
            jax.ShapeDtypeStruct((8, HIDDEN), jnp.float32),
        ],
        scratch_shapes=[
            pltpu.VMEM((8, 128, HP), jnp.bfloat16),
            pltpu.VMEM((8, 128, HP), jnp.bfloat16),
            pltpu.VMEM((8, 128, HP), jnp.bfloat16),
            pltpu.VMEM((NWIN, HIDDEN), jnp.float32),
        ],
        interpret=interpret,
    )(xs2d, xs2d, lwqkvp, lbqkvp, lwop, lbo, lg, lb,
      gwqkvp, gbqkvp, gwop, gbo, gg, gb,
      jnp.asarray(_BIASROT_NP), jnp.asarray(_SMATT2_NP, dtype=jnp.bfloat16))

    ADD_ROWS = 1024
    h2d = pl.pallas_call(
        _add_body,
        grid=(L // ADD_ROWS,),
        in_specs=[
            blk((ADD_ROWS, HIDDEN), lambda i: (i, 0)),
            full((8, HIDDEN)),
        ],
        out_specs=blk((ADD_ROWS, HIDDEN), lambda i: (i, 0)),
        out_shape=jax.ShapeDtypeStruct((L, HIDDEN), jnp.float32),
        interpret=interpret,
    )(refined, vec)

    return h2d


def kernel(x, coords, weight_params, l_Wqkv, l_bqkv, l_Wo, l_bo, l_g, l_b,
           g_Wqkv, g_bqkv, g_Wo, g_bo, g_g, g_b):
    del coords, weight_params
    x2d = x.reshape(L, HIDDEN)
    xs2d = _sc_gather(x2d, jnp.asarray(_PERM_NP))
    h2d = _tc_pipeline(xs2d, l_Wqkv, l_bqkv, l_Wo, l_bo, l_g, l_b,
                       g_Wqkv, g_bqkv, g_Wo, g_bo, g_g, g_b)
    return h2d.reshape(1, L, HIDDEN)

# --- scband reference (transcript-rebuilt; emitter-appended) ---
"""Pipeline reference for scband-hierarchical-cluster-local-attention-26929444946509 (READ-ONLY COPY).

The authoritative reference and input builder live on the scoring server;
editing this copy changes nothing except your own understanding.
"""

import jax, jax.numpy as jnp
import numpy as np

HIDDEN = 384
NHEADS = 8
CLUSTER_SIZE = 64
B = 1
L = 4096


def setup_inputs(seed: int = 0) -> dict:
    key = jax.random.key(seed)
    ks = jax.random.split(key, 8)
    d = HIDDEN

    def p(k, shape):
        return jax.random.normal(k, shape, dtype=jnp.float32) * 0.02

    return {
        'x': jax.random.normal(ks[0], (B, L, d), dtype=jnp.float32),
        'coords': jax.random.uniform(ks[1], (B, L, 2), dtype=jnp.float32),
        'weight_params': jnp.array([0.8, 0.2], dtype=jnp.float32),
        'l_Wqkv': p(ks[2], (3 * d, d)), 'l_bqkv': jnp.zeros((3 * d,), jnp.float32),
        'l_Wo': p(ks[3], (d, d)), 'l_bo': jnp.zeros((d,), jnp.float32),
        'l_g': jnp.ones((d,), jnp.float32), 'l_b': jnp.zeros((d,), jnp.float32),
        'g_Wqkv': p(ks[4], (3 * d, d)), 'g_bqkv': jnp.zeros((3 * d,), jnp.float32),
        'g_Wo': p(ks[5], (d, d)), 'g_bo': jnp.zeros((d,), jnp.float32),
        'g_g': jnp.ones((d,), jnp.float32), 'g_b': jnp.zeros((d,), jnp.float32),
    }


def _attn_block(x, Wqkv, bqkv, Wo, bo, g, b):
    # HierarchicalSelfAttention in eval mode (dropout inactive): MHA + residual + LayerNorm
    Bq, Lq, C = x.shape
    dh = C // NHEADS
    qkv = x @ Wqkv.T + bqkv
    q, k, v = jnp.split(qkv, 3, axis=-1)

    def rs(t):
        return t.reshape(Bq, Lq, NHEADS, dh).transpose(0, 2, 1, 3)

    q, k, v = rs(q), rs(k), rs(v)
    scores = jnp.einsum('bhid,bhjd->bhij', q, k) / jnp.sqrt(jnp.float32(dh))
    a = jax.nn.softmax(scores, axis=-1)
    o = jnp.einsum('bhij,bhjd->bhid', a, v).transpose(0, 2, 1, 3).reshape(Bq, Lq, C)
    o = o @ Wo.T + bo
    x = x + o
    mu = jnp.mean(x, axis=-1, keepdims=True)
    var = jnp.var(x, axis=-1, keepdims=True)
    return (x - mu) / jnp.sqrt(var + 1e-5) * g + b


def _cluster_plan(Lnum):
    # feature_weight == -1 path: random cluster labels (deterministic seed), stable sort, window split
    n_cluster = max(1, Lnum // CLUSTER_SIZE)
    labels = np.random.RandomState(0).randint(0, n_cluster, size=Lnum)
    index = np.argsort(labels, kind='stable')
    window_sizes = np.bincount(labels).tolist()
    new_sizes = []
    for size in window_sizes:
        if size >= CLUSTER_SIZE * 2:
            num_splits = max(1, size // CLUSTER_SIZE)
            q, r = divmod(size, num_splits)
            new_sizes.extend([q + 1 if i < r else q for i in range(num_splits)])
        else:
            new_sizes.append(size)
    return index, [s for s in new_sizes if s > 0], labels


def reference(x, coords, weight_params, l_Wqkv, l_bqkv, l_Wo, l_bo, l_g, l_b,
              g_Wqkv, g_bqkv, g_Wo, g_bo, g_g, g_b):
    Bq, Lq, C = x.shape
    _ = jax.nn.softmax(weight_params, axis=0)  # computed as in torch; unused when feature_weight == -1
    index, sizes, labels = _cluster_plan(Lq)
    xs = jnp.take(x, jnp.asarray(index), axis=1)
    refined = []
    now = 0
    for s in sizes:
        c = xs[:, now:now + s]
        refined.append(_attn_block(c, l_Wqkv, l_bqkv, l_Wo, l_bo, l_g, l_b))
        now += s
    reps = [jnp.mean(r, axis=1) for r in refined]
    R = jnp.stack(reps, axis=1)
    Rp = _attn_block(R, g_Wqkv, g_bqkv, g_Wo, g_bo, g_g, g_b)
    h = jnp.concatenate(refined, axis=1)
    h = h + jnp.mean(Rp, axis=1, keepdims=True)
    return h

if __name__ == "__main__":
    import jax
    _d = setup_inputs()
    print(jax.jit(kernel)(*tuple(_d.values())))

</pallas_src>

<mosaic_0001>
#map = affine_map<(d0, d1) -> (0, 0)>
#map1 = affine_map<(d0, d1) -> (0)>
module attributes {stable_mosaic.version = 14 : i64} {
  func.func @body(%arg0: i32, %arg1: i32, %arg2: memref<4096x384xf32, #tpu.memory_space<hbm>>, %arg3: memref<4096xi32, #tpu.memory_space<hbm>>, %arg4: memref<4096x384xf32, #tpu.memory_space<hbm>>, %arg5: memref<128xi32, #tpu.memory_space<vmem>>, %arg6: memref<128x384xf32, #tpu.memory_space<vmem>>, %arg7: memref<!tpu.dma_semaphore, #tpu.memory_space<semaphore_mem>>) attributes {dimension_semantics = [#tpu.dimension_semantics<core_parallel>, #tpu.dimension_semantics<subcore_parallel>], iteration_bounds = array<i64: 2, 16>, scalar_prefetch = 0 : i64, scratch_operands = 3 : i64, tpu.core_type = #tpu.core_type<sc_vector_subcore>, window_params = [{transform_indices = #map}, {transform_indices = #map1}, {transform_indices = #map}]} {
    %mul3A = arith.constant 2 : i32
    %mul3A_0 = arith.muli %arg1, %mul3A : i32
    %add3A = arith.addi %mul3A_0, %arg0 : i32
    %mul3A_1 = arith.constant 128 : i32
    %mul3A_2 = arith.muli %add3A, %mul3A_1 : i32
    "tpu.region"() ({
      %run_scoped3A = tpu.sem_alloc : memref<!tpu.dma_semaphore, #tpu.memory_space<semaphore_mem>>
      %dma_start3A_7 = tpu.memref_slice %arg3[%mul3A_2] : memref<4096xi32, #tpu.memory_space<hbm>> -> memref<128xi32, #tpu.memory_space<hbm>>
      %dma_start3A_8 = tpu.memref_slice %arg3[%mul3A_2] : memref<4096xi32, #tpu.memory_space<hbm>> -> memref<128xi32, #tpu.memory_space<hbm>>
      tpu.enqueue_dma source(%dma_start3A_8 : memref<128xi32, #tpu.memory_space<hbm>>) target(%arg5 : memref<128xi32, #tpu.memory_space<vmem>>) target_semaphore(%run_scoped3A : memref<!tpu.dma_semaphore, #tpu.memory_space<semaphore_mem>>)
      %dma_wait3A_9 = tpu.memref_slice %arg3[%mul3A_2] : memref<4096xi32, #tpu.memory_space<hbm>> -> memref<128xi32, #tpu.memory_space<hbm>>
      %dma_wait3A_10 = tpu.memref_slice %arg3[%mul3A_2] : memref<4096xi32, #tpu.memory_space<hbm>> -> memref<128xi32, #tpu.memory_space<hbm>>
      tpu.wait_dma2 semaphore(%run_scoped3A : memref<!tpu.dma_semaphore, #tpu.memory_space<semaphore_mem>>) src(%dma_wait3A_10 : memref<128xi32, #tpu.memory_space<hbm>>) dst(%arg5 : memref<128xi32, #tpu.memory_space<vmem>>)
      tpu.yield
    }) : () -> ()
    %dma_start3A = arith.constant 0 : i32
    %dma_start3A_3 = arith.constant 0 : i32
    %dma_start3A_4 = tpu.memref_slice %arg2[%dma_start3A, %dma_start3A_3] : memref<4096x384xf32, #tpu.memory_space<hbm>> -> memref<4096x384xf32, #tpu.memory_space<hbm>>
    tpu.enqueue_indirect_dma source(%dma_start3A_4 : memref<4096x384xf32, #tpu.memory_space<hbm>>) target(%arg6 : memref<128x384xf32, #tpu.memory_space<vmem>>) offsets(%arg5 : memref<128xi32, #tpu.memory_space<vmem>>) semaphore(%arg7 : memref<!tpu.dma_semaphore, #tpu.memory_space<semaphore_mem>>)
    %dma_wait3A = arith.constant 0 : i32
    %dma_wait3A_5 = arith.constant 0 : i32
    %dma_wait3A_6 = tpu.memref_slice %arg2[%dma_wait3A, %dma_wait3A_5] : memref<4096x384xf32, #tpu.memory_space<hbm>> -> memref<4096x384xf32, #tpu.memory_space<hbm>>
    tpu.wait_indirect_dma semaphore(%arg7 : memref<!tpu.dma_semaphore, #tpu.memory_space<semaphore_mem>>) src(%dma_wait3A_6 : memref<4096x384xf32, #tpu.memory_space<hbm>>) dst(%arg6 : memref<128x384xf32, #tpu.memory_space<vmem>>)
    "tpu.region"() ({
      %run_scoped3A = tpu.sem_alloc : memref<!tpu.dma_semaphore, #tpu.memory_space<semaphore_mem>>
      %dma_start3A_7 = arith.constant 0 : i32
      %dma_start3A_8 = tpu.memref_slice %arg4[%mul3A_2, %dma_start3A_7] : memref<4096x384xf32, #tpu.memory_space<hbm>> -> memref<128x384xf32, #tpu.memory_space<hbm>>
      %dma_start3A_9 = arith.constant 0 : i32
      %dma_start3A_10 = tpu.memref_slice %arg4[%mul3A_2, %dma_start3A_9] : memref<4096x384xf32, #tpu.memory_space<hbm>> -> memref<128x384xf32, #tpu.memory_space<hbm>>
      tpu.enqueue_dma source(%arg6 : memref<128x384xf32, #tpu.memory_space<vmem>>) target(%dma_start3A_10 : memref<128x384xf32, #tpu.memory_space<hbm>>) target_semaphore(%run_scoped3A : memref<!tpu.dma_semaphore, #tpu.memory_space<semaphore_mem>>)
      %dma_wait3A_11 = arith.constant 0 : i32
      %dma_wait3A_12 = tpu.memref_slice %arg4[%mul3A_2, %dma_wait3A_11] : memref<4096x384xf32, #tpu.memory_space<hbm>> -> memref<128x384xf32, #tpu.memory_space<hbm>>
      %dma_wait3A_13 = arith.constant 0 : i32
      %dma_wait3A_14 = tpu.memref_slice %arg4[%mul3A_2, %dma_wait3A_13] : memref<4096x384xf32, #tpu.memory_space<hbm>> -> memref<128x384xf32, #tpu.memory_space<hbm>>
      tpu.wait_dma2 semaphore(%run_scoped3A : memref<!tpu.dma_semaphore, #tpu.memory_space<semaphore_mem>>) src(%arg6 : memref<128x384xf32, #tpu.memory_space<vmem>>) dst(%dma_wait3A_14 : memref<128x384xf32, #tpu.memory_space<hbm>>)
      tpu.yield
    }) : () -> ()
    return
  }
}

module attributes {stable_mosaic.version = 14 : i64} {
  func.func @_add_body(%arg0: i32, %arg1: memref<1024x384xf32, #tpu.memory_space<vmem>>, %arg2: memref<8x384xf32, #tpu.memory_space<vmem>>, %arg3: memref<1024x384xf32, #tpu.memory_space<vmem>>) attributes {dimension_semantics = [#tpu.dimension_semantics<arbitrary>], iteration_bounds = array<i64: 4>, scalar_prefetch = 0 : i64, scratch_operands = 0 : i64, tpu.core_type = #tpu.core_type<tc>, window_params = [{transform_indices = @transform_0, window_bounds = array<i64: 1024, 384>}, {pipeline_mode = #tpu.pipeline_mode<synchronous>, transform_indices = @transform_1, window_bounds = array<i64: 8, 384>}, {transform_indices = @transform_2, window_bounds = array<i64: 1024, 384>}]} {
    %get3A = arith.constant 0 : index
    %get3A_0 = arith.constant 0 : index
    %get3A_1 = vector.load %arg1[%get3A, %get3A_0] : memref<1024x384xf32, #tpu.memory_space<vmem>>, vector<1024x384xf32>
    %get3A_2 = arith.constant 0 : index
    %get3A_3 = arith.constant 0 : index
    %get3A_4 = vector.load %arg2[%get3A_2, %get3A_3] : memref<8x384xf32, #tpu.memory_space<vmem>>, vector<1x384xf32>
    %add3A = vector.broadcast %get3A_4 : vector<1x384xf32> to vector<1024x384xf32>
    %add3A_5 = arith.addf %get3A_1, %add3A : vector<1024x384xf32>
    %swap3A = arith.constant 0 : index
    %swap3A_6 = arith.constant 0 : index
    %swap3A_7 = vector.load %arg3[%swap3A, %swap3A_6] : memref<1024x384xf32, #tpu.memory_space<vmem>>, vector<1024x384xf32>
    tpu.vector_store %arg3[%swap3A, %swap3A_6], %add3A_5 {strides = array<i32>} : memref<1024x384xf32, #tpu.memory_space<vmem>>, vector<1024x384xf32>,
    return
  }
  func.func @transform_0(%arg0: i32) -> (i32, i32) {
    %c0_i32 = arith.constant 0 : i32
    %c0_i32_0 = arith.constant 0 : i32
    return %arg0, %c0_i32 : i32, i32
  }
  func.func @transform_1(%arg0: i32) -> (i32, i32) {
    %c0_i32 = arith.constant 0 : i32
    %c0_i32_0 = arith.constant 0 : i32
    %c0_i32_1 = arith.constant 0 : i32
    return %c0_i32, %c0_i32_0 : i32, i32
  }
  func.func @transform_2(%arg0: i32) -> (i32, i32) {
    %c0_i32 = arith.constant 0 : i32
    %c0_i32_0 = arith.constant 0 : i32
    return %arg0, %c0_i32 : i32, i32
  }
}

module attributes {stable_mosaic.version = 14 : i64} {
  func.func @_local_body(%arg0: i32, %arg1: memref<256x384xf32, #tpu.memory_space<vmem>>, %arg2: memref<256x384xf32, #tpu.memory_space<vmem>>, %arg3: memref<3072x384xbf16, #tpu.memory_space<vmem>>, %arg4: memref<1x3072xf32, #tpu.memory_space<vmem>>, %arg5: memref<384x1024xbf16, #tpu.memory_space<vmem>>, %arg6: memref<1x384xf32, #tpu.memory_space<vmem>>, %arg7: memref<1x384xf32, #tpu.memory_space<vmem>>, %arg8: memref<1x384xf32, #tpu.memory_space<vmem>>, %arg9: memref<3072x384xbf16, #tpu.memory_space<vmem>>, %arg10: memref<1x3072xf32, #tpu.memory_space<vmem>>, %arg11: memref<384x1024xbf16, #tpu.memory_space<vmem>>, %arg12: memref<1x384xf32, #tpu.memory_space<vmem>>, %arg13: memref<1x384xf32, #tpu.memory_space<vmem>>, %arg14: memref<1x384xf32, #tpu.memory_space<vmem>>, %arg15: memref<1x256x512xf32, #tpu.memory_space<vmem>>, %arg16: memref<1x64x256xbf16, #tpu.memory_space<vmem>>, %arg17: memref<256x384xf32, #tpu.memory_space<vmem>>, %arg18: memref<8x384xf32, #tpu.memory_space<vmem>>, %arg19: memref<8x128x1024xbf16, #tpu.memory_space<vmem>>, %arg20: memref<8x128x1024xbf16, #tpu.memory_space<vmem>>, %arg21: memref<8x128x1024xbf16, #tpu.memory_space<vmem>>, %arg22: memref<64x384xf32, #tpu.memory_space<vmem>>) attributes {dimension_semantics = [#tpu.dimension_semantics<arbitrary>], iteration_bounds = array<i64: 17>, scalar_prefetch = 0 : i64, scratch_operands = 4 : i64, tpu.core_type = #tpu.core_type<tc>, window_params = [{transform_indices = @transform_0, window_bounds = array<i64: 256, 384>}, {transform_indices = @transform_1, window_bounds = array<i64: 256, 384>}, {pipeline_mode = #tpu.pipeline_mode<synchronous>, transform_indices = @transform_2, window_bounds = array<i64: 3072, 384>}, {pipeline_mode = #tpu.pipeline_mode<synchronous>, transform_indices = @transform_3, window_bounds = array<i64: 1, 3072>}, {pipeline_mode = #tpu.pipeline_mode<synchronous>, transform_indices = @transform_4, window_bounds = array<i64: 384, 1024>}, {pipeline_mode = #tpu.pipeline_mode<synchronous>, transform_indices = @transform_5, window_bounds = array<i64: 1, 384>}, {pipeline_mode = #tpu.pipeline_mode<synchronous>, transform_indices = @transform_6, window_bounds = array<i64: 1, 384>}, {pipeline_mode = #tpu.pipeline_mode<synchronous>, transform_indices = @transform_7, window_bounds = array<i64: 1, 384>}, {pipeline_mode = #tpu.pipeline_mode<synchronous>, transform_indices = @transform_8, window_bounds = array<i64: 3072, 384>}, {pipeline_mode = #tpu.pipeline_mode<synchronous>, transform_indices = @transform_9, window_bounds = array<i64: 1, 3072>}, {pipeline_mode = #tpu.pipeline_mode<synchronous>, transform_indices = @transform_10, window_bounds = array<i64: 384, 1024>}, {pipeline_mode = #tpu.pipeline_mode<synchronous>, transform_indices = @transform_11, window_bounds = array<i64: 1, 384>}, {pipeline_mode = #tpu.pipeline_mode<synchronous>, transform_indices = @transform_12, window_bounds = array<i64: 1, 384>}, {pipeline_mode = #tpu.pipeline_mode<synchronous>, transform_indices = @transform_13, window_bounds = array<i64: 1, 384>}, {transform_indices = @transform_14, window_bounds = array<i64: 1, 256, 512>}, {transform_indices = @transform_15, window_bounds = array<i64: 1, 64, 256>}, {transform_indices = @transform_16, window_bounds = array<i64: 256, 384>}, {pipeline_mode = #tpu.pipeline_mode<synchronous>, transform_indices = @transform_17, window_bounds = array<i64: 8, 384>}]} {
    %sub3A = arith.constant 1 : i32
    %sub3A_0 = arith.subi %arg0, %sub3A : i32
    %max3A = arith.constant 0 : i32
    %max3A_1 = arith.maxsi %sub3A_0, %max3A : i32
    %mul3A = arith.constant 2 : i32
    %mul3A_2 = arith.muli %mul3A, %max3A_1 : i32
    %rem3A = arith.constant 8 : i32
    %rem3A_3 = arith.remsi %mul3A_2, %rem3A : i32
    %get3A = arith.index_cast %rem3A_3 : i32 to index
    %get3A_4 = arith.constant 0 : index
    %get3A_5 = arith.constant 0 : index
    %get3A_6 = vector.load %arg19[%get3A, %get3A_4, %get3A_5] : memref<8x128x1024xbf16, #tpu.memory_space<vmem>>, vector<1x128x1024xbf16>
    %get3A_7 = vector.shape_cast %get3A_6 : vector<1x128x1024xbf16> to vector<128x1024xbf16>
    %mul3A_8 = arith.constant 2 : i32
    %mul3A_9 = arith.muli %mul3A_8, %max3A_1 : i32
    %add3A = arith.constant 1 : i32
    %add3A_10 = arith.addi %mul3A_9, %add3A : i32
    %rem3A_11 = arith.constant 8 : i32
    %rem3A_12 = arith.remsi %add3A_10, %rem3A_11 : i32
    %get3A_13 = arith.index_cast %rem3A_12 : i32 to index
    %get3A_14 = arith.constant 0 : index
    %get3A_15 = arith.constant 0 : index
    %get3A_16 = vector.load %arg19[%get3A_13, %get3A_14, %get3A_15] : memref<8x128x1024xbf16, #tpu.memory_space<vmem>>, vector<1x128x1024xbf16>
    %get3A_17 = vector.shape_cast %get3A_16 : vector<1x128x1024xbf16> to vector<128x1024xbf16>
    %concatenate3A = tpu.concatenate %get3A_7, %get3A_17 in 0 : vector<128x1024xbf16>, vector<128x1024xbf16> -> vector<256x1024xbf16>
    %mul3A_18 = arith.constant 2 : i32
    %mul3A_19 = arith.muli %mul3A_18, %max3A_1 : i32
    %sub3A_20 = arith.constant 1 : i32
    %sub3A_21 = arith.subi %mul3A_19, %sub3A_20 : i32
    %add3A_22 = arith.constant 0 : i32
    %add3A_23 = arith.addi %sub3A_21, %add3A_22 : i32
    %add3A_24 = arith.constant 8 : i32
    %add3A_25 = arith.addi %add3A_23, %add3A_24 : i32
    %rem3A_26 = arith.constant 8 : i32
    %rem3A_27 = arith.remsi %add3A_25, %rem3A_26 : i32
    %mul3A_28 = arith.constant 2 : i32
    %mul3A_29 = arith.muli %mul3A_28, %max3A_1 : i32
    %sub3A_30 = arith.constant 1 : i32
    %sub3A_31 = arith.subi %mul3A_29, %sub3A_30 : i32
    %add3A_32 = arith.constant 1 : i32
    %add3A_33 = arith.addi %sub3A_31, %add3A_32 : i32
    %add3A_34 = arith.constant 8 : i32
    %add3A_35 = arith.addi %add3A_33, %add3A_34 : i32
    %rem3A_36 = arith.constant 8 : i32
    %rem3A_37 = arith.remsi %add3A_35, %rem3A_36 : i32
    %mul3A_38 = arith.constant 2 : i32
    %mul3A_39 = arith.muli %mul3A_38, %max3A_1 : i32
    %sub3A_40 = arith.constant 1 : i32
    %sub3A_41 = arith.subi %mul3A_39, %sub3A_40 : i32
    %add3A_42 = arith.constant 2 : i32
    %add3A_43 = arith.addi %sub3A_41, %add3A_42 : i32
    %add3A_44 = arith.constant 8 : i32
    %add3A_45 = arith.addi %add3A_43, %add3A_44 : i32
    %rem3A_46 = arith.constant 8 : i32
    %rem3A_47 = arith.remsi %add3A_45, %rem3A_46 : i32
    %mul3A_48 = arith.constant 2 : i32
    %mul3A_49 = arith.muli %mul3A_48, %max3A_1 : i32
    %sub3A_50 = arith.constant 1 : i32
    %sub3A_51 = arith.subi %mul3A_49, %sub3A_50 : i32
    %add3A_52 = arith.constant 3 : i32
    %add3A_53 = arith.addi %sub3A_51, %add3A_52 : i32
    %add3A_54 = arith.constant 8 : i32
    %add3A_55 = arith.addi %add3A_53, %add3A_54 : i32
    %rem3A_56 = arith.constant 8 : i32
    %rem3A_57 = arith.remsi %add3A_55, %rem3A_56 : i32
    %get3A_58 = arith.index_cast %rem3A_27 : i32 to index
    %get3A_59 = arith.constant 0 : index
    %get3A_60 = arith.constant 0 : index
    %get3A_61 = vector.load %arg20[%get3A_58, %get3A_59, %get3A_60] : memref<8x128x1024xbf16, #tpu.memory_space<vmem>>, vector<1x128x1024xbf16>
    %get3A_62 = vector.shape_cast %get3A_61 : vector<1x128x1024xbf16> to vector<128x1024xbf16>
    %get3A_63 = arith.index_cast %rem3A_37 : i32 to index
    %get3A_64 = arith.constant 0 : index
    %get3A_65 = arith.constant 0 : index
    %get3A_66 = vector.load %arg20[%get3A_63, %get3A_64, %get3A_65] : memref<8x128x1024xbf16, #tpu.memory_space<vmem>>, vector<1x128x1024xbf16>
    %get3A_67 = vector.shape_cast %get3A_66 : vector<1x128x1024xbf16> to vector<128x1024xbf16>
    %get3A_68 = arith.index_cast %rem3A_47 : i32 to index
    %get3A_69 = arith.constant 0 : index
    %get3A_70 = arith.constant 0 : index
    %get3A_71 = vector.load %arg20[%get3A_68, %get3A_69, %get3A_70] : memref<8x128x1024xbf16, #tpu.memory_space<vmem>>, vector<1x128x1024xbf16>
    %get3A_72 = vector.shape_cast %get3A_71 : vector<1x128x1024xbf16> to vector<128x1024xbf16>
    %get3A_73 = arith.index_cast %rem3A_57 : i32 to index
    %get3A_74 = arith.constant 0 : index
    %get3A_75 = arith.constant 0 : index
    %get3A_76 = vector.load %arg20[%get3A_73, %get3A_74, %get3A_75] : memref<8x128x1024xbf16, #tpu.memory_space<vmem>>, vector<1x128x1024xbf16>
    %get3A_77 = vector.shape_cast %get3A_76 : vector<1x128x1024xbf16> to vector<128x1024xbf16>
    %concatenate3A_78 = tpu.concatenate %get3A_62, %get3A_67, %get3A_72, %get3A_77 in 0 : vector<128x1024xbf16>, vector<128x1024xbf16>, vector<128x1024xbf16>, vector<128x1024xbf16> -> vector<512x1024xbf16>
    %get3A_79 = arith.index_cast %rem3A_27 : i32 to index
    %get3A_80 = arith.constant 0 : index
    %get3A_81 = arith.constant 0 : index
    %get3A_82 = vector.load %arg21[%get3A_79, %get3A_80, %get3A_81] : memref<8x128x1024xbf16, #tpu.memory_space<vmem>>, vector<1x128x1024xbf16>
    %get3A_83 = vector.shape_cast %get3A_82 : vector<1x128x1024xbf16> to vector<128x1024xbf16>
    %get3A_84 = arith.index_cast %rem3A_37 : i32 to index
    %get3A_85 = arith.constant 0 : index
    %get3A_86 = arith.constant 0 : index
    %get3A_87 = vector.load %arg21[%get3A_84, %get3A_85, %get3A_86] : memref<8x128x1024xbf16, #tpu.memory_space<vmem>>, vector<1x128x1024xbf16>
    %get3A_88 = vector.shape_cast %get3A_87 : vector<1x128x1024xbf16> to vector<128x1024xbf16>
    %get3A_89 = arith.index_cast %rem3A_47 : i32 to index
    %get3A_90 = arith.constant 0 : index
    %get3A_91 = arith.constant 0 : index
    %get3A_92 = vector.load %arg21[%get3A_89, %get3A_90, %get3A_91] : memref<8x128x1024xbf16, #tpu.memory_space<vmem>>, vector<1x128x1024xbf16>
    %get3A_93 = vector.shape_cast %get3A_92 : vector<1x128x1024xbf16> to vector<128x1024xbf16>
    %get3A_94 = arith.index_cast %rem3A_57 : i32 to index
    %get3A_95 = arith.constant 0 : index
    %get3A_96 = arith.constant 0 : index
    %get3A_97 = vector.load %arg21[%get3A_94, %get3A_95, %get3A_96] : memref<8x128x1024xbf16, #tpu.memory_space<vmem>>, vector<1x128x1024xbf16>
    %get3A_98 = vector.shape_cast %get3A_97 : vector<1x128x1024xbf16> to vector<128x1024xbf16>
    %concatenate3A_99 = tpu.concatenate %get3A_83, %get3A_88, %get3A_93, %get3A_98 in 0 : vector<128x1024xbf16>, vector<128x1024xbf16>, vector<128x1024xbf16>, vector<128x1024xbf16> -> vector<512x1024xbf16>
    %get3A_100 = arith.constant 0 : index
    %get3A_101 = arith.constant 0 : index
    %get3A_102 = arith.constant 0 : index
    %get3A_103 = vector.load %arg15[%get3A_100, %get3A_101, %get3A_102] : memref<1x256x512xf32, #tpu.memory_space<vmem>>, vector<1x256x512xf32>
    %get3A_104 = vector.shape_cast %get3A_103 : vector<1x256x512xf32> to vector<256x512xf32>
    %broadcast_in_dim3A = arith.constant 1.000000e+00 : bf16
    %broadcast_in_dim3A_105 = vector.broadcast %broadcast_in_dim3A : bf16 to vector<512x128xbf16>
    %slice3A = vector.extract_strided_slice %concatenate3A {offsets = [0, 0], sizes = [256, 128], strides = [1, 1]} : vector<256x1024xbf16> to vector<256x128xbf16>
    %slice3A_106 = vector.extract_strided_slice %concatenate3A_78 {offsets = [0, 0], sizes = [512, 128], strides = [1, 1]} : vector<512x1024xbf16> to vector<512x128xbf16>
    %dot_general3A = arith.constant dense<0.000000e+00> : vector<256x512xf32>
    %dot_general3A_107 = tpu.matmul %slice3A, %slice3A_106, %dot_general3A {dimension_numbers = #tpu.dot_dimension_numbers<[1], [1], [0], [0], [0, 0, 1, 0], [], []>, transpose_lhs_hint = false} : vector<256x128xbf16>, vector<512x128xbf16>, vector<256x512xf32> -> vector<256x512xf32>
    %add3A_108 = arith.addf %dot_general3A_107, %get3A_104 : vector<256x512xf32>
    %exp3A = math.exp %add3A_108 : vector<256x512xf32>
    %convert_element_type3A = arith.truncf %exp3A : vector<256x512xf32> to vector<256x512xbf16>
    %slice3A_109 = vector.extract_strided_slice %concatenate3A_99 {offsets = [0, 0], sizes = [512, 128], strides = [1, 1]} : vector<512x1024xbf16> to vector<512x128xbf16>
    %dot_general3A_110 = arith.constant dense<0.000000e+00> : vector<256x128xf32>
    %dot_general3A_111 = tpu.matmul %convert_element_type3A, %slice3A_109, %dot_general3A_110 {dimension_numbers = #tpu.dot_dimension_numbers<[1], [0], [0], [1], [0, 0, 1, 1], [], []>, transpose_lhs_hint = false} : vector<256x512xbf16>, vector<512x128xbf16>, vector<256x128xf32> -> vector<256x128xf32>
    %dot_general3A_112 = arith.constant dense<0.000000e+00> : vector<256x128xf32>
    %dot_general3A_113 = tpu.matmul %convert_element_type3A, %broadcast_in_dim3A_105, %dot_general3A_112 {dimension_numbers = #tpu.dot_dimension_numbers<[1], [0], [0], [1], [0, 0, 1, 1], [], []>, transpose_lhs_hint = false} : vector<256x512xbf16>, vector<512x128xbf16>, vector<256x128xf32> -> vector<256x128xf32>
    %div3A = arith.divf %dot_general3A_111, %dot_general3A_113 : vector<256x128xf32>
    %convert_element_type3A_114 = arith.truncf %div3A : vector<256x128xf32> to vector<256x128xbf16>
    %slice3A_115 = vector.extract_strided_slice %concatenate3A {offsets = [0, 128], sizes = [256, 128], strides = [1, 1]} : vector<256x1024xbf16> to vector<256x128xbf16>
    %slice3A_116 = vector.extract_strided_slice %concatenate3A_78 {offsets = [0, 128], sizes = [512, 128], strides = [1, 1]} : vector<512x1024xbf16> to vector<512x128xbf16>
    %dot_general3A_117 = arith.constant dense<0.000000e+00> : vector<256x512xf32>
    %dot_general3A_118 = tpu.matmul %slice3A_115, %slice3A_116, %dot_general3A_117 {dimension_numbers = #tpu.dot_dimension_numbers<[1], [1], [0], [0], [0, 0, 1, 0], [], []>, transpose_lhs_hint = false} : vector<256x128xbf16>, vector<512x128xbf16>, vector<256x512xf32> -> vector<256x512xf32>
    %add3A_119 = arith.addf %dot_general3A_118, %get3A_104 : vector<256x512xf32>
    %exp3A_120 = math.exp %add3A_119 : vector<256x512xf32>
    %convert_element_type3A_121 = arith.truncf %exp3A_120 : vector<256x512xf32> to vector<256x512xbf16>
    %slice3A_122 = vector.extract_strided_slice %concatenate3A_99 {offsets = [0, 128], sizes = [512, 128], strides = [1, 1]} : vector<512x1024xbf16> to vector<512x128xbf16>
    %dot_general3A_123 = arith.constant dense<0.000000e+00> : vector<256x128xf32>
    %dot_general3A_124 = tpu.matmul %convert_element_type3A_121, %slice3A_122, %dot_general3A_123 {dimension_numbers = #tpu.dot_dimension_numbers<[1], [0], [0], [1], [0, 0, 1, 1], [], []>, transpose_lhs_hint = false} : vector<256x512xbf16>, vector<512x128xbf16>, vector<256x128xf32> -> vector<256x128xf32>
    %dot_general3A_125 = arith.constant dense<0.000000e+00> : vector<256x128xf32>
    %dot_general3A_126 = tpu.matmul %convert_element_type3A_121, %broadcast_in_dim3A_105, %dot_general3A_125 {dimension_numbers = #tpu.dot_dimension_numbers<[1], [0], [0], [1], [0, 0, 1, 1], [], []>, transpose_lhs_hint = false} : vector<256x512xbf16>, vector<512x128xbf16>, vector<256x128xf32> -> vector<256x128xf32>
    %div3A_127 = arith.divf %dot_general3A_124, %dot_general3A_126 : vector<256x128xf32>
    %convert_element_type3A_128 = arith.truncf %div3A_127 : vector<256x128xf32> to vector<256x128xbf16>
    %slice3A_129 = vector.extract_strided_slice %concatenate3A {offsets = [0, 256], sizes = [256, 128], strides = [1, 1]} : vector<256x1024xbf16> to vector<256x128xbf16>
    %slice3A_130 = vector.extract_strided_slice %concatenate3A_78 {offsets = [0, 256], sizes = [512, 128], strides = [1, 1]} : vector<512x1024xbf16> to vector<512x128xbf16>
    %dot_general3A_131 = arith.constant dense<0.000000e+00> : vector<256x512xf32>
    %dot_general3A_132 = tpu.matmul %slice3A_129, %slice3A_130, %dot_general3A_131 {dimension_numbers = #tpu.dot_dimension_numbers<[1], [1], [0], [0], [0, 0, 1, 0], [], []>, transpose_lhs_hint = false} : vector<256x128xbf16>, vector<512x128xbf16>, vector<256x512xf32> -> vector<256x512xf32>
    %add3A_133 = arith.addf %dot_general3A_132, %get3A_104 : vector<256x512xf32>
    %exp3A_134 = math.exp %add3A_133 : vector<256x512xf32>
    %convert_element_type3A_135 = arith.truncf %exp3A_134 : vector<256x512xf32> to vector<256x512xbf16>
    %slice3A_136 = vector.extract_strided_slice %concatenate3A_99 {offsets = [0, 256], sizes = [512, 128], strides = [1, 1]} : vector<512x1024xbf16> to vector<512x128xbf16>
    %dot_general3A_137 = arith.constant dense<0.000000e+00> : vector<256x128xf32>
    %dot_general3A_138 = tpu.matmul %convert_element_type3A_135, %slice3A_136, %dot_general3A_137 {dimension_numbers = #tpu.dot_dimension_numbers<[1], [0], [0], [1], [0, 0, 1, 1], [], []>, transpose_lhs_hint = false} : vector<256x512xbf16>, vector<512x128xbf16>, vector<256x128xf32> -> vector<256x128xf32>
    %dot_general3A_139 = arith.constant dense<0.000000e+00> : vector<256x128xf32>
    %dot_general3A_140 = tpu.matmul %convert_element_type3A_135, %broadcast_in_dim3A_105, %dot_general3A_139 {dimension_numbers = #tpu.dot_dimension_numbers<[1], [0], [0], [1], [0, 0, 1, 1], [], []>, transpose_lhs_hint = false} : vector<256x512xbf16>, vector<512x128xbf16>, vector<256x128xf32> -> vector<256x128xf32>
    %div3A_141 = arith.divf %dot_general3A_138, %dot_general3A_140 : vector<256x128xf32>
    %convert_element_type3A_142 = arith.truncf %div3A_141 : vector<256x128xf32> to vector<256x128xbf16>
    %slice3A_143 = vector.extract_strided_slice %concatenate3A {offsets = [0, 384], sizes = [256, 128], strides = [1, 1]} : vector<256x1024xbf16> to vector<256x128xbf16>
    %slice3A_144 = vector.extract_strided_slice %concatenate3A_78 {offsets = [0, 384], sizes = [512, 128], strides = [1, 1]} : vector<512x1024xbf16> to vector<512x128xbf16>
    %dot_general3A_145 = arith.constant dense<0.000000e+00> : vector<256x512xf32>
    %dot_general3A_146 = tpu.matmul %slice3A_143, %slice3A_144, %dot_general3A_145 {dimension_numbers = #tpu.dot_dimension_numbers<[1], [1], [0], [0], [0, 0, 1, 0], [], []>, transpose_lhs_hint = false} : vector<256x128xbf16>, vector<512x128xbf16>, vector<256x512xf32> -> vector<256x512xf32>
    %add3A_147 = arith.addf %dot_general3A_146, %get3A_104 : vector<256x512xf32>
    %exp3A_148 = math.exp %add3A_147 : vector<256x512xf32>
    %convert_element_type3A_149 = arith.truncf %exp3A_148 : vector<256x512xf32> to vector<256x512xbf16>
    %slice3A_150 = vector.extract_strided_slice %concatenate3A_99 {offsets = [0, 384], sizes = [512, 128], strides = [1, 1]} : vector<512x1024xbf16> to vector<512x128xbf16>
    %dot_general3A_151 = arith.constant dense<0.000000e+00> : vector<256x128xf32>
    %dot_general3A_152 = tpu.matmul %convert_element_type3A_149, %slice3A_150, %dot_general3A_151 {dimension_numbers = #tpu.dot_dimension_numbers<[1], [0], [0], [1], [0, 0, 1, 1], [], []>, transpose_lhs_hint = false} : vector<256x512xbf16>, vector<512x128xbf16>, vector<256x128xf32> -> vector<256x128xf32>
    %dot_general3A_153 = arith.constant dense<0.000000e+00> : vector<256x128xf32>
    %dot_general3A_154 = tpu.matmul %convert_element_type3A_149, %broadcast_in_dim3A_105, %dot_general3A_153 {dimension_numbers = #tpu.dot_dimension_numbers<[1], [0], [0], [1], [0, 0, 1, 1], [], []>, transpose_lhs_hint = false} : vector<256x512xbf16>, vector<512x128xbf16>, vector<256x128xf32> -> vector<256x128xf32>
    %div3A_155 = arith.divf %dot_general3A_152, %dot_general3A_154 : vector<256x128xf32>
    %convert_element_type3A_156 = arith.truncf %div3A_155 : vector<256x128xf32> to vector<256x128xbf16>
    %slice3A_157 = vector.extract_strided_slice %concatenate3A {offsets = [0, 512], sizes = [256, 128], strides = [1, 1]} : vector<256x1024xbf16> to vector<256x128xbf16>
    %slice3A_158 = vector.extract_strided_slice %concatenate3A_78 {offsets = [0, 512], sizes = [512, 128], strides = [1, 1]} : vector<512x1024xbf16> to vector<512x128xbf16>
    %dot_general3A_159 = arith.constant dense<0.000000e+00> : vector<256x512xf32>
    %dot_general3A_160 = tpu.matmul %slice3A_157, %slice3A_158, %dot_general3A_159 {dimension_numbers = #tpu.dot_dimension_numbers<[1], [1], [0], [0], [0, 0, 1, 0], [], []>, transpose_lhs_hint = false} : vector<256x128xbf16>, vector<512x128xbf16>, vector<256x512xf32> -> vector<256x512xf32>
    %add3A_161 = arith.addf %dot_general3A_160, %get3A_104 : vector<256x512xf32>
    %exp3A_162 = math.exp %add3A_161 : vector<256x512xf32>
    %convert_element_type3A_163 = arith.truncf %exp3A_162 : vector<256x512xf32> to vector<256x512xbf16>
    %slice3A_164 = vector.extract_strided_slice %concatenate3A_99 {offsets = [0, 512], sizes = [512, 128], strides = [1, 1]} : vector<512x1024xbf16> to vector<512x128xbf16>
    %dot_general3A_165 = arith.constant dense<0.000000e+00> : vector<256x128xf32>
    %dot_general3A_166 = tpu.matmul %convert_element_type3A_163, %slice3A_164, %dot_general3A_165 {dimension_numbers = #tpu.dot_dimension_numbers<[1], [0], [0], [1], [0, 0, 1, 1], [], []>, transpose_lhs_hint = false} : vector<256x512xbf16>, vector<512x128xbf16>, vector<256x128xf32> -> vector<256x128xf32>
    %dot_general3A_167 = arith.constant dense<0.000000e+00> : vector<256x128xf32>
    %dot_general3A_168 = tpu.matmul %convert_element_type3A_163, %broadcast_in_dim3A_105, %dot_general3A_167 {dimension_numbers = #tpu.dot_dimension_numbers<[1], [0], [0], [1], [0, 0, 1, 1], [], []>, transpose_lhs_hint = false} : vector<256x512xbf16>, vector<512x128xbf16>, vector<256x128xf32> -> vector<256x128xf32>
    %div3A_169 = arith.divf %dot_general3A_166, %dot_general3A_168 : vector<256x128xf32>
    %convert_element_type3A_170 = arith.truncf %div3A_169 : vector<256x128xf32> to vector<256x128xbf16>
    %slice3A_171 = vector.extract_strided_slice %concatenate3A {offsets = [0, 640], sizes = [256, 128], strides = [1, 1]} : vector<256x1024xbf16> to vector<256x128xbf16>
    %slice3A_172 = vector.extract_strided_slice %concatenate3A_78 {offsets = [0, 640], sizes = [512, 128], strides = [1, 1]} : vector<512x1024xbf16> to vector<512x128xbf16>
    %dot_general3A_173 = arith.constant dense<0.000000e+00> : vector<256x512xf32>
    %dot_general3A_174 = tpu.matmul %slice3A_171, %slice3A_172, %dot_general3A_173 {dimension_numbers = #tpu.dot_dimension_numbers<[1], [1], [0], [0], [0, 0, 1, 0], [], []>, transpose_lhs_hint = false} : vector<256x128xbf16>, vector<512x128xbf16>, vector<256x512xf32> -> vector<256x512xf32>
    %add3A_175 = arith.addf %dot_general3A_174, %get3A_104 : vector<256x512xf32>
    %exp3A_176 = math.exp %add3A_175 : vector<256x512xf32>
    %convert_element_type3A_177 = arith.truncf %exp3A_176 : vector<256x512xf32> to vector<256x512xbf16>
    %slice3A_178 = vector.extract_strided_slice %concatenate3A_99 {offsets = [0, 640], sizes = [512, 128], strides = [1, 1]} : vector<512x1024xbf16> to vector<512x128xbf16>
    %dot_general3A_179 = arith.constant dense<0.000000e+00> : vector<256x128xf32>
    %dot_general3A_180 = tpu.matmul %convert_element_type3A_177, %slice3A_178, %dot_general3A_179 {dimension_numbers = #tpu.dot_dimension_numbers<[1], [0], [0], [1], [0, 0, 1, 1], [], []>, transpose_lhs_hint = false} : vector<256x512xbf16>, vector<512x128xbf16>, vector<256x128xf32> -> vector<256x128xf32>
    %dot_general3A_181 = arith.constant dense<0.000000e+00> : vector<256x128xf32>
    %dot_general3A_182 = tpu.matmul %convert_element_type3A_177, %broadcast_in_dim3A_105, %dot_general3A_181 {dimension_numbers = #tpu.dot_dimension_numbers<[1], [0], [0], [1], [0, 0, 1, 1], [], []>, transpose_lhs_hint = false} : vector<256x512xbf16>, vector<512x128xbf16>, vector<256x128xf32> -> vector<256x128xf32>
    %div3A_183 = arith.divf %dot_general3A_180, %dot_general3A_182 : vector<256x128xf32>
    %convert_element_type3A_184 = arith.truncf %div3A_183 : vector<256x128xf32> to vector<256x128xbf16>
    %slice3A_185 = vector.extract_strided_slice %concatenate3A {offsets = [0, 768], sizes = [256, 128], strides = [1, 1]} : vector<256x1024xbf16> to vector<256x128xbf16>
    %slice3A_186 = vector.extract_strided_slice %concatenate3A_78 {offsets = [0, 768], sizes = [512, 128], strides = [1, 1]} : vector<512x1024xbf16> to vector<512x128xbf16>
    %dot_general3A_187 = arith.constant dense<0.000000e+00> : vector<256x512xf32>
    %dot_general3A_188 = tpu.matmul %slice3A_185, %slice3A_186, %dot_general3A_187 {dimension_numbers = #tpu.dot_dimension_numbers<[1], [1], [0], [0], [0, 0, 1, 0], [], []>, transpose_lhs_hint = false} : vector<256x128xbf16>, vector<512x128xbf16>, vector<256x512xf32> -> vector<256x512xf32>
    %add3A_189 = arith.addf %dot_general3A_188, %get3A_104 : vector<256x512xf32>
    %exp3A_190 = math.exp %add3A_189 : vector<256x512xf32>
    %convert_element_type3A_191 = arith.truncf %exp3A_190 : vector<256x512xf32> to vector<256x512xbf16>
    %slice3A_192 = vector.extract_strided_slice %concatenate3A_99 {offsets = [0, 768], sizes = [512, 128], strides = [1, 1]} : vector<512x1024xbf16> to vector<512x128xbf16>
    %dot_general3A_193 = arith.constant dense<0.000000e+00> : vector<256x128xf32>
    %dot_general3A_194 = tpu.matmul %convert_element_type3A_191, %slice3A_192, %dot_general3A_193 {dimension_numbers = #tpu.dot_dimension_numbers<[1], [0], [0], [1], [0, 0, 1, 1], [], []>, transpose_lhs_hint = false} : vector<256x512xbf16>, vector<512x128xbf16>, vector<256x128xf32> -> vector<256x128xf32>
    %dot_general3A_195 = arith.constant dense<0.000000e+00> : vector<256x128xf32>
    %dot_general3A_196 = tpu.matmul %convert_element_type3A_191, %broadcast_in_dim3A_105, %dot_general3A_195 {dimension_numbers = #tpu.dot_dimension_numbers<[1], [0], [0], [1], [0, 0, 1, 1], [], []>, transpose_lhs_hint = false} : vector<256x512xbf16>, vector<512x128xbf16>, vector<256x128xf32> -> vector<256x128xf32>
    %div3A_197 = arith.divf %dot_general3A_194, %dot_general3A_196 : vector<256x128xf32>
    %convert_element_type3A_198 = arith.truncf %div3A_197 : vector<256x128xf32> to vector<256x128xbf16>
    %slice3A_199 = vector.extract_strided_slice %concatenate3A {offsets = [0, 896], sizes = [256, 128], strides = [1, 1]} : vector<256x1024xbf16> to vector<256x128xbf16>
    %slice3A_200 = vector.extract_strided_slice %concatenate3A_78 {offsets = [0, 896], sizes = [512, 128], strides = [1, 1]} : vector<512x1024xbf16> to vector<512x128xbf16>
    %dot_general3A_201 = arith.constant dense<0.000000e+00> : vector<256x512xf32>
    %dot_general3A_202 = tpu.matmul %slice3A_199, %slice3A_200, %dot_general3A_201 {dimension_numbers = #tpu.dot_dimension_numbers<[1], [1], [0], [0], [0, 0, 1, 0], [], []>, transpose_lhs_hint = false} : vector<256x128xbf16>, vector<512x128xbf16>, vector<256x512xf32> -> vector<256x512xf32>
    %add3A_203 = arith.addf %dot_general3A_202, %get3A_104 : vector<256x512xf32>
    %exp3A_204 = math.exp %add3A_203 : vector<256x512xf32>
    %convert_element_type3A_205 = arith.truncf %exp3A_204 : vector<256x512xf32> to vector<256x512xbf16>
    %slice3A_206 = vector.extract_strided_slice %concatenate3A_99 {offsets = [0, 896], sizes = [512, 128], strides = [1, 1]} : vector<512x1024xbf16> to vector<512x128xbf16>
    %dot_general3A_207 = arith.constant dense<0.000000e+00> : vector<256x128xf32>
    %dot_general3A_208 = tpu.matmul %convert_element_type3A_205, %slice3A_206, %dot_general3A_207 {dimension_numbers = #tpu.dot_dimension_numbers<[1], [0], [0], [1], [0, 0, 1, 1], [], []>, transpose_lhs_hint = false} : vector<256x512xbf16>, vector<512x128xbf16>, vector<256x128xf32> -> vector<256x128xf32>
    %dot_general3A_209 = arith.constant dense<0.000000e+00> : vector<256x128xf32>
    %dot_general3A_210 = tpu.matmul %convert_element_type3A_205, %broadcast_in_dim3A_105, %dot_general3A_209 {dimension_numbers = #tpu.dot_dimension_numbers<[1], [0], [0], [1], [0, 0, 1, 1], [], []>, transpose_lhs_hint = false} : vector<256x512xbf16>, vector<512x128xbf16>, vector<256x128xf32> -> vector<256x128xf32>
    %div3A_211 = arith.divf %dot_general3A_208, %dot_general3A_210 : vector<256x128xf32>
    %convert_element_type3A_212 = arith.truncf %div3A_211 : vector<256x128xf32> to vector<256x128xbf16>
    %concatenate3A_213 = tpu.concatenate %convert_element_type3A_114, %convert_element_type3A_128, %convert_element_type3A_142, %convert_element_type3A_156, %convert_element_type3A_170, %convert_element_type3A_184, %convert_element_type3A_198, %convert_element_type3A_212 in 1 : vector<256x128xbf16>, vector<256x128xbf16>, vector<256x128xbf16>, vector<256x128xbf16>, vector<256x128xbf16>, vector<256x128xbf16>, vector<256x128xbf16>, vector<256x128xbf16> -> vector<256x1024xbf16>
    %get3A_214 = arith.constant 0 : index
    %get3A_215 = arith.constant 0 : index
    %get3A_216 = vector.load %arg5[%get3A_214, %get3A_215] : memref<384x1024xbf16, #tpu.memory_space<vmem>>, vector<384x1024xbf16>
    %dot_general3A_217 = arith.constant dense<0.000000e+00> : vector<256x384xf32>
    %dot_general3A_218 = tpu.matmul %concatenate3A_213, %get3A_216, %dot_general3A_217 {dimension_numbers = #tpu.dot_dimension_numbers<[1], [1], [0], [0], [0, 0, 1, 0], [], []>, transpose_lhs_hint = false} : vector<256x1024xbf16>, vector<384x1024xbf16>, vector<256x384xf32> -> vector<256x384xf32>
    %get3A_219 = arith.constant 0 : index
    %get3A_220 = arith.constant 0 : index
    %get3A_221 = vector.load %arg6[%get3A_219, %get3A_220] : memref<1x384xf32, #tpu.memory_space<vmem>>, vector<1x384xf32>
    %add3A_222 = vector.broadcast %get3A_221 : vector<1x384xf32> to vector<256x384xf32>
    %add3A_223 = arith.addf %dot_general3A_218, %add3A_222 : vector<256x384xf32>
    %get3A_224 = arith.constant 0 : index
    %get3A_225 = arith.constant 0 : index
    %get3A_226 = vector.load %arg1[%get3A_224, %get3A_225] : memref<256x384xf32, #tpu.memory_space<vmem>>, vector<256x384xf32>
    %add3A_227 = arith.addf %get3A_226, %add3A_223 : vector<256x384xf32>
    %get3A_228 = arith.constant 0 : index
    %get3A_229 = arith.constant 0 : index
    %get3A_230 = vector.load %arg7[%get3A_228, %get3A_229] : memref<1x384xf32, #tpu.memory_space<vmem>>, vector<1x384xf32>
    %get3A_231 = arith.constant 0 : index
    %get3A_232 = arith.constant 0 : index
    %get3A_233 = vector.load %arg8[%get3A_231, %get3A_232] : memref<1x384xf32, #tpu.memory_space<vmem>>, vector<1x384xf32>
    %reduce_sum3A = arith.constant dense<0.000000e+00> : vector<256xf32>
    %reduce_sum3A_234 = vector.multi_reduction <add>, %add3A_227, %reduce_sum3A [1] : vector<256x384xf32> to vector<256xf32>
    %broadcast_in_dim3A_235 = vector.shape_cast %reduce_sum3A_234 : vector<256xf32> to vector<256x1xf32>
    %div3A_236 = arith.constant 3.840000e+02 : f32
    %div3A_237 = vector.broadcast %div3A_236 : f32 to vector<256x1xf32>
    %div3A_238 = arith.divf %broadcast_in_dim3A_235, %div3A_237 : vector<256x1xf32>
    %sub3A_239 = vector.broadcast %div3A_238 : vector<256x1xf32> to vector<256x384xf32>
    %sub3A_240 = arith.subf %add3A_227, %sub3A_239 : vector<256x384xf32>
    %mul3A_241 = arith.mulf %sub3A_240, %sub3A_240 : vector<256x384xf32>
    %reduce_sum3A_242 = arith.constant dense<0.000000e+00> : vector<256xf32>
    %reduce_sum3A_243 = vector.multi_reduction <add>, %mul3A_241, %reduce_sum3A_242 [1] : vector<256x384xf32> to vector<256xf32>
    %broadcast_in_dim3A_244 = vector.shape_cast %reduce_sum3A_243 : vector<256xf32> to vector<256x1xf32>
    %div3A_245 = arith.constant 3.840000e+02 : f32
    %div3A_246 = vector.broadcast %div3A_245 : f32 to vector<256x1xf32>
    %div3A_247 = arith.divf %broadcast_in_dim3A_244, %div3A_246 : vector<256x1xf32>
    %add3A_248 = arith.constant 9.99999974E-6 : f32
    %add3A_249 = vector.broadcast %add3A_248 : f32 to vector<256x1xf32>
    %add3A_250 = arith.addf %div3A_247, %add3A_249 : vector<256x1xf32>
    %rsqrt3A = math.rsqrt %add3A_250 : vector<256x1xf32>
    %mul3A_251 = vector.broadcast %rsqrt3A : vector<256x1xf32> to vector<256x384xf32>
    %mul3A_252 = arith.mulf %sub3A_240, %mul3A_251 : vector<256x384xf32>
    %mul3A_253 = vector.broadcast %get3A_230 : vector<1x384xf32> to vector<256x384xf32>
    %mul3A_254 = arith.mulf %mul3A_252, %mul3A_253 : vector<256x384xf32>
    %add3A_255 = vector.broadcast %get3A_233 : vector<1x384xf32> to vector<256x384xf32>
    %add3A_256 = arith.addf %mul3A_254, %add3A_255 : vector<256x384xf32>
    %swap3A = arith.constant 0 : index
    %swap3A_257 = arith.constant 0 : index
    %swap3A_258 = vector.load %arg17[%swap3A, %swap3A_257] : memref<256x384xf32, #tpu.memory_space<vmem>>, vector<256x384xf32>
    tpu.vector_store %arg17[%swap3A, %swap3A_257], %add3A_256 {strides = array<i32>} : memref<256x384xf32, #tpu.memory_space<vmem>>, vector<256x384xf32>,
    %get3A_259 = arith.constant 0 : index
    %get3A_260 = arith.constant 0 : index
    %get3A_261 = arith.constant 0 : index
    %get3A_262 = vector.load %arg16[%get3A_259, %get3A_260, %get3A_261] : memref<1x64x256xbf16, #tpu.memory_space<vmem>>, vector<1x64x256xbf16>
    %get3A_263 = vector.shape_cast %get3A_262 : vector<1x64x256xbf16> to vector<64x256xbf16>
    %convert_element_type3A_264 = arith.truncf %add3A_256 : vector<256x384xf32> to vector<256x384xbf16>
    %dot_general3A_265 = arith.constant dense<0.000000e+00> : vector<64x384xf32>
    %dot_general3A_266 = tpu.matmul %get3A_263, %convert_element_type3A_264, %dot_general3A_265 {dimension_numbers = #tpu.dot_dimension_numbers<[1], [0], [0], [1], [0, 0, 1, 1], [], []>, transpose_lhs_hint = false} : vector<64x256xbf16>, vector<256x384xbf16>, vector<64x384xf32> -> vector<64x384xf32>
    %get3A_267 = arith.constant 0 : index
    %get3A_268 = arith.constant 0 : index
    %get3A_269 = vector.load %arg3[%get3A_267, %get3A_268] : memref<3072x384xbf16, #tpu.memory_space<vmem>>, vector<3072x384xbf16>
    %get3A_270 = arith.constant 0 : index
    %get3A_271 = arith.constant 0 : index
    %get3A_272 = vector.load %arg4[%get3A_270, %get3A_271] : memref<1x3072xf32, #tpu.memory_space<vmem>>, vector<1x3072xf32>
    %get3A_273 = arith.constant 0 : index
    %get3A_274 = arith.constant 0 : index
    %get3A_275 = vector.load %arg2[%get3A_273, %get3A_274] : memref<256x384xf32, #tpu.memory_space<vmem>>, vector<256x384xf32>
    %convert_element_type3A_276 = arith.truncf %get3A_275 : vector<256x384xf32> to vector<256x384xbf16>
    %mul3A_277 = arith.constant 2 : i32
    %mul3A_278 = arith.muli %mul3A_277, %arg0 : i32
    %add3A_279 = arith.constant 2 : i32
    %add3A_280 = arith.addi %mul3A_278, %add3A_279 : i32
    %rem3A_281 = arith.constant 8 : i32
    %rem3A_282 = arith.remsi %add3A_280, %rem3A_281 : i32
    %mul3A_283 = arith.constant 2 : i32
    %mul3A_284 = arith.muli %mul3A_283, %arg0 : i32
    %add3A_285 = arith.constant 3 : i32
    %add3A_286 = arith.addi %mul3A_284, %add3A_285 : i32
    %rem3A_287 = arith.constant 8 : i32
    %rem3A_288 = arith.remsi %add3A_286, %rem3A_287 : i32
    %dot_general3A_289 = arith.constant dense<0.000000e+00> : vector<256x3072xf32>
    %dot_general3A_290 = tpu.matmul %convert_element_type3A_276, %get3A_269, %dot_general3A_289 {dimension_numbers = #tpu.dot_dimension_numbers<[1], [1], [0], [0], [0, 0, 1, 0], [], []>, transpose_lhs_hint = false} : vector<256x384xbf16>, vector<3072x384xbf16>, vector<256x3072xf32> -> vector<256x3072xf32>
    %add3A_291 = vector.broadcast %get3A_272 : vector<1x3072xf32> to vector<256x3072xf32>
    %add3A_292 = arith.addf %dot_general3A_290, %add3A_291 : vector<256x3072xf32>
    %slice3A_293 = vector.extract_strided_slice %add3A_292 {offsets = [0, 0], sizes = [128, 1024], strides = [1, 1]} : vector<256x3072xf32> to vector<128x1024xf32>
    %convert_element_type3A_294 = arith.truncf %slice3A_293 : vector<128x1024xf32> to vector<128x1024xbf16>
    %swap3A_295 = arith.index_cast %rem3A_282 : i32 to index
    %swap3A_296 = arith.constant 0 : index
    %swap3A_297 = arith.constant 0 : index
    %swap3A_298 = vector.load %arg19[%swap3A_295, %swap3A_296, %swap3A_297] : memref<8x128x1024xbf16, #tpu.memory_space<vmem>>, vector<1x128x1024xbf16>
    %swap3A_299 = vector.shape_cast %swap3A_298 : vector<1x128x1024xbf16> to vector<128x1024xbf16>
    %swap3A_300 = vector.shape_cast %convert_element_type3A_294 : vector<128x1024xbf16> to vector<1x128x1024xbf16>
    tpu.vector_store %arg19[%swap3A_295, %swap3A_296, %swap3A_297], %swap3A_300 {strides = array<i32>} : memref<8x128x1024xbf16, #tpu.memory_space<vmem>>, vector<1x128x1024xbf16>,
    %slice3A_301 = vector.extract_strided_slice %add3A_292 {offsets = [128, 0], sizes = [128, 1024], strides = [1, 1]} : vector<256x3072xf32> to vector<128x1024xf32>
    %convert_element_type3A_302 = arith.truncf %slice3A_301 : vector<128x1024xf32> to vector<128x1024xbf16>
    %swap3A_303 = arith.index_cast %rem3A_288 : i32 to index
    %swap3A_304 = arith.constant 0 : index
    %swap3A_305 = arith.constant 0 : index
    %swap3A_306 = vector.load %arg19[%swap3A_303, %swap3A_304, %swap3A_305] : memref<8x128x1024xbf16, #tpu.memory_space<vmem>>, vector<1x128x1024xbf16>
    %swap3A_307 = vector.shape_cast %swap3A_306 : vector<1x128x1024xbf16> to vector<128x1024xbf16>
    %swap3A_308 = vector.shape_cast %convert_element_type3A_302 : vector<128x1024xbf16> to vector<1x128x1024xbf16>
    tpu.vector_store %arg19[%swap3A_303, %swap3A_304, %swap3A_305], %swap3A_308 {strides = array<i32>} : memref<8x128x1024xbf16, #tpu.memory_space<vmem>>, vector<1x128x1024xbf16>,
    %slice3A_309 = vector.extract_strided_slice %add3A_292 {offsets = [0, 1024], sizes = [128, 1024], strides = [1, 1]} : vector<256x3072xf32> to vector<128x1024xf32>
    %convert_element_type3A_310 = arith.truncf %slice3A_309 : vector<128x1024xf32> to vector<128x1024xbf16>
    %swap3A_311 = arith.index_cast %rem3A_282 : i32 to index
    %swap3A_312 = arith.constant 0 : index
    %swap3A_313 = arith.constant 0 : index
    %swap3A_314 = vector.load %arg20[%swap3A_311, %swap3A_312, %swap3A_313] : memref<8x128x1024xbf16, #tpu.memory_space<vmem>>, vector<1x128x1024xbf16>
    %swap3A_315 = vector.shape_cast %swap3A_314 : vector<1x128x1024xbf16> to vector<128x1024xbf16>
    %swap3A_316 = vector.shape_cast %convert_element_type3A_310 : vector<128x1024xbf16> to vector<1x128x1024xbf16>
    tpu.vector_store %arg20[%swap3A_311, %swap3A_312, %swap3A_313], %swap3A_316 {strides = array<i32>} : memref<8x128x1024xbf16, #tpu.memory_space<vmem>>, vector<1x128x1024xbf16>,
    %slice3A_317 = vector.extract_strided_slice %add3A_292 {offsets = [128, 1024], sizes = [128, 1024], strides = [1, 1]} : vector<256x3072xf32> to vector<128x1024xf32>
    %convert_element_type3A_318 = arith.truncf %slice3A_317 : vector<128x1024xf32> to vector<128x1024xbf16>
    %swap3A_319 = arith.index_cast %rem3A_288 : i32 to index
    %swap3A_320 = arith.constant 0 : index
    %swap3A_321 = arith.constant 0 : index
    %swap3A_322 = vector.load %arg20[%swap3A_319, %swap3A_320, %swap3A_321] : memref<8x128x1024xbf16, #tpu.memory_space<vmem>>, vector<1x128x1024xbf16>
    %swap3A_323 = vector.shape_cast %swap3A_322 : vector<1x128x1024xbf16> to vector<128x1024xbf16>
    %swap3A_324 = vector.shape_cast %convert_element_type3A_318 : vector<128x1024xbf16> to vector<1x128x1024xbf16>
    tpu.vector_store %arg20[%swap3A_319, %swap3A_320, %swap3A_321], %swap3A_324 {strides = array<i32>} : memref<8x128x1024xbf16, #tpu.memory_space<vmem>>, vector<1x128x1024xbf16>,
    %slice3A_325 = vector.extract_strided_slice %add3A_292 {offsets = [0, 2048], sizes = [128, 1024], strides = [1, 1]} : vector<256x3072xf32> to vector<128x1024xf32>
    %convert_element_type3A_326 = arith.truncf %slice3A_325 : vector<128x1024xf32> to vector<128x1024xbf16>
    %swap3A_327 = arith.index_cast %rem3A_282 : i32 to index
    %swap3A_328 = arith.constant 0 : index
    %swap3A_329 = arith.constant 0 : index
    %swap3A_330 = vector.load %arg21[%swap3A_327, %swap3A_328, %swap3A_329] : memref<8x128x1024xbf16, #tpu.memory_space<vmem>>, vector<1x128x1024xbf16>
    %swap3A_331 = vector.shape_cast %swap3A_330 : vector<1x128x1024xbf16> to vector<128x1024xbf16>
    %swap3A_332 = vector.shape_cast %convert_element_type3A_326 : vector<128x1024xbf16> to vector<1x128x1024xbf16>
    tpu.vector_store %arg21[%swap3A_327, %swap3A_328, %swap3A_329], %swap3A_332 {strides = array<i32>} : memref<8x128x1024xbf16, #tpu.memory_space<vmem>>, vector<1x128x1024xbf16>,
    %slice3A_333 = vector.extract_strided_slice %add3A_292 {offsets = [128, 2048], sizes = [128, 1024], strides = [1, 1]} : vector<256x3072xf32> to vector<128x1024xf32>
    %convert_element_type3A_334 = arith.truncf %slice3A_333 : vector<128x1024xf32> to vector<128x1024xbf16>
    %swap3A_335 = arith.index_cast %rem3A_288 : i32 to index
    %swap3A_336 = arith.constant 0 : index
    %swap3A_337 = arith.constant 0 : index
    %swap3A_338 = vector.load %arg21[%swap3A_335, %swap3A_336, %swap3A_337] : memref<8x128x1024xbf16, #tpu.memory_space<vmem>>, vector<1x128x1024xbf16>
    %swap3A_339 = vector.shape_cast %swap3A_338 : vector<1x128x1024xbf16> to vector<128x1024xbf16>
    %swap3A_340 = vector.shape_cast %convert_element_type3A_334 : vector<128x1024xbf16> to vector<1x128x1024xbf16>
    tpu.vector_store %arg21[%swap3A_335, %swap3A_336, %swap3A_337], %swap3A_340 {strides = array<i32>} : memref<8x128x1024xbf16, #tpu.memory_space<vmem>>, vector<1x128x1024xbf16>,
    %sub3A_341 = arith.constant 1 : i32
    %sub3A_342 = arith.subi %arg0, %sub3A_341 : i32
    %eq3A = arith.constant 0 : i32
    %eq3A_343 = arith.cmpi eq, %sub3A_342, %eq3A : i32
    %convert_element_type3A_344 = arith.extui %eq3A_343 : i1 to i32
    %cond3A = arith.constant 0 : i32
    %cond3A_345 = arith.cmpi ne, %convert_element_type3A_344, %cond3A : i32
    scf.if %cond3A_345 {
      %swap3A_360 = arith.constant 0 : index
      %swap3A_361 = arith.constant 0 : index
      %swap3A_362 = vector.load %arg22[%swap3A_360, %swap3A_361] : memref<64x384xf32, #tpu.memory_space<vmem>>, vector<64x384xf32>
      tpu.vector_store %arg22[%swap3A_360, %swap3A_361], %dot_general3A_266 {strides = array<i32>} : memref<64x384xf32, #tpu.memory_space<vmem>>, vector<64x384xf32>,
    } else {
    }
    %gt3A = arith.constant 0 : i32
    %gt3A_346 = arith.cmpi sgt, %sub3A_342, %gt3A : i32
    %convert_element_type3A_347 = arith.extui %gt3A_346 : i1 to i32
    %cond3A_348 = arith.constant 0 : i32
    %cond3A_349 = arith.cmpi ne, %convert_element_type3A_347, %cond3A_348 : i32
    scf.if %cond3A_349 {
      %get3A_360 = arith.constant 0 : index
      %get3A_361 = arith.constant 0 : index
      %get3A_362 = vector.load %arg22[%get3A_360, %get3A_361] : memref<64x384xf32, #tpu.memory_space<vmem>>, vector<64x384xf32>
      %add3A_363 = arith.addf %get3A_362, %dot_general3A_266 : vector<64x384xf32>
      %swap3A_364 = arith.constant 0 : index
      %swap3A_365 = arith.constant 0 : index
      %swap3A_366 = vector.load %arg22[%swap3A_364, %swap3A_365] : memref<64x384xf32, #tpu.memory_space<vmem>>, vector<64x384xf32>
      tpu.vector_store %arg22[%swap3A_364, %swap3A_365], %add3A_363 {strides = array<i32>} : memref<64x384xf32, #tpu.memory_space<vmem>>, vector<64x384xf32>,
    } else {
    }
    %eq3A_350 = arith.constant 15 : i32
    %eq3A_351 = arith.cmpi eq, %sub3A_342, %eq3A_350 : i32
    %convert_element_type3A_352 = arith.extui %eq3A_351 : i1 to i32
    %cond3A_353 = arith.constant 0 : i32
    %cond3A_354 = arith.cmpi ne, %convert_element_type3A_352, %cond3A_353 : i32
    scf.if %cond3A_354 {
      %get3A_360 = arith.constant 0 : index
      %get3A_361 = arith.constant 0 : index
      %get3A_362 = vector.load %arg22[%get3A_360, %get3A_361] : memref<64x384xf32, #tpu.memory_space<vmem>>, vector<64x384xf32>
      %convert_element_type3A_363 = arith.truncf %get3A_362 : vector<64x384xf32> to vector<64x384xbf16>
      %get3A_364 = arith.constant 0 : index
      %get3A_365 = arith.constant 0 : index
      %get3A_366 = vector.load %arg9[%get3A_364, %get3A_365] : memref<3072x384xbf16, #tpu.memory_space<vmem>>, vector<3072x384xbf16>
      %dot_general3A_367 = arith.constant dense<0.000000e+00> : vector<64x3072xf32>
      %dot_general3A_368 = tpu.matmul %convert_element_type3A_363, %get3A_366, %dot_general3A_367 {dimension_numbers = #tpu.dot_dimension_numbers<[1], [1], [0], [0], [0, 0, 1, 0], [], []>, transpose_lhs_hint = false} : vector<64x384xbf16>, vector<3072x384xbf16>, vector<64x3072xf32> -> vector<64x3072xf32>
      %get3A_369 = arith.constant 0 : index
      %get3A_370 = arith.constant 0 : index
      %get3A_371 = vector.load %arg10[%get3A_369, %get3A_370] : memref<1x3072xf32, #tpu.memory_space<vmem>>, vector<1x3072xf32>
      %add3A_372 = vector.broadcast %get3A_371 : vector<1x3072xf32> to vector<64x3072xf32>
      %add3A_373 = arith.addf %dot_general3A_368, %add3A_372 : vector<64x3072xf32>
      %slice3A_374 = vector.extract_strided_slice %add3A_373 {offsets = [0, 0], sizes = [64, 1024], strides = [1, 1]} : vector<64x3072xf32> to vector<64x1024xf32>
      %convert_element_type3A_375 = arith.truncf %slice3A_374 : vector<64x1024xf32> to vector<64x1024xbf16>
      %slice3A_376 = vector.extract_strided_slice %add3A_373 {offsets = [0, 1024], sizes = [64, 1024], strides = [1, 1]} : vector<64x3072xf32> to vector<64x1024xf32>
      %convert_element_type3A_377 = arith.truncf %slice3A_376 : vector<64x1024xf32> to vector<64x1024xbf16>
      %slice3A_378 = vector.extract_strided_slice %add3A_373 {offsets = [0, 2048], sizes = [64, 1024], strides = [1, 1]} : vector<64x3072xf32> to vector<64x1024xf32>
      %convert_element_type3A_379 = arith.truncf %slice3A_378 : vector<64x1024xf32> to vector<64x1024xbf16>
      %broadcast_in_dim3A_380 = arith.constant 1.000000e+00 : bf16
      %broadcast_in_dim3A_381 = vector.broadcast %broadcast_in_dim3A_380 : bf16 to vector<64x128xbf16>
      %slice3A_382 = vector.extract_strided_slice %convert_element_type3A_375 {offsets = [0, 0], sizes = [64, 128], strides = [1, 1]} : vector<64x1024xbf16> to vector<64x128xbf16>
      %slice3A_383 = vector.extract_strided_slice %convert_element_type3A_377 {offsets = [0, 0], sizes = [64, 128], strides = [1, 1]} : vector<64x1024xbf16> to vector<64x128xbf16>
      %dot_general3A_384 = arith.constant dense<0.000000e+00> : vector<64x64xf32>
      %dot_general3A_385 = tpu.matmul %slice3A_382, %slice3A_383, %dot_general3A_384 {dimension_numbers = #tpu.dot_dimension_numbers<[1], [1], [0], [0], [0, 0, 1, 0], [], []>, transpose_lhs_hint = false} : vector<64x128xbf16>, vector<64x128xbf16>, vector<64x64xf32> -> vector<64x64xf32>
      %exp3A_386 = math.exp %dot_general3A_385 : vector<64x64xf32>
      %convert_element_type3A_387 = arith.truncf %exp3A_386 : vector<64x64xf32> to vector<64x64xbf16>
      %slice3A_388 = vector.extract_strided_slice %convert_element_type3A_379 {offsets = [0, 0], sizes = [64, 128], strides = [1, 1]} : vector<64x1024xbf16> to vector<64x128xbf16>
      %dot_general3A_389 = arith.constant dense<0.000000e+00> : vector<64x128xf32>
      %dot_general3A_390 = tpu.matmul %convert_element_type3A_387, %slice3A_388, %dot_general3A_389 {dimension_numbers = #tpu.dot_dimension_numbers<[1], [0], [0], [1], [0, 0, 1, 1], [], []>, transpose_lhs_hint = false} : vector<64x64xbf16>, vector<64x128xbf16>, vector<64x128xf32> -> vector<64x128xf32>
      %dot_general3A_391 = arith.constant dense<0.000000e+00> : vector<64x128xf32>
      %dot_general3A_392 = tpu.matmul %convert_element_type3A_387, %broadcast_in_dim3A_381, %dot_general3A_391 {dimension_numbers = #tpu.dot_dimension_numbers<[1], [0], [0], [1], [0, 0, 1, 1], [], []>, transpose_lhs_hint = false} : vector<64x64xbf16>, vector<64x128xbf16>, vector<64x128xf32> -> vector<64x128xf32>
      %div3A_393 = arith.divf %dot_general3A_390, %dot_general3A_392 : vector<64x128xf32>
      %convert_element_type3A_394 = arith.truncf %div3A_393 : vector<64x128xf32> to vector<64x128xbf16>
      %slice3A_395 = vector.extract_strided_slice %convert_element_type3A_375 {offsets = [0, 128], sizes = [64, 128], strides = [1, 1]} : vector<64x1024xbf16> to vector<64x128xbf16>
      %slice3A_396 = vector.extract_strided_slice %convert_element_type3A_377 {offsets = [0, 128], sizes = [64, 128], strides = [1, 1]} : vector<64x1024xbf16> to vector<64x128xbf16>
      %dot_general3A_397 = arith.constant dense<0.000000e+00> : vector<64x64xf32>
      %dot_general3A_398 = tpu.matmul %slice3A_395, %slice3A_396, %dot_general3A_397 {dimension_numbers = #tpu.dot_dimension_numbers<[1], [1], [0], [0], [0, 0, 1, 0], [], []>, transpose_lhs_hint = false} : vector<64x128xbf16>, vector<64x128xbf16>, vector<64x64xf32> -> vector<64x64xf32>
      %exp3A_399 = math.exp %dot_general3A_398 : vector<64x64xf32>
      %convert_element_type3A_400 = arith.truncf %exp3A_399 : vector<64x64xf32> to vector<64x64xbf16>
      %slice3A_401 = vector.extract_strided_slice %convert_element_type3A_379 {offsets = [0, 128], sizes = [64, 128], strides = [1, 1]} : vector<64x1024xbf16> to vector<64x128xbf16>
      %dot_general3A_402 = arith.constant dense<0.000000e+00> : vector<64x128xf32>
      %dot_general3A_403 = tpu.matmul %convert_element_type3A_400, %slice3A_401, %dot_general3A_402 {dimension_numbers = #tpu.dot_dimension_numbers<[1], [0], [0], [1], [0, 0, 1, 1], [], []>, transpose_lhs_hint = false} : vector<64x64xbf16>, vector<64x128xbf16>, vector<64x128xf32> -> vector<64x128xf32>
      %dot_general3A_404 = arith.constant dense<0.000000e+00> : vector<64x128xf32>
      %dot_general3A_405 = tpu.matmul %convert_element_type3A_400, %broadcast_in_dim3A_381, %dot_general3A_404 {dimension_numbers = #tpu.dot_dimension_numbers<[1], [0], [0], [1], [0, 0, 1, 1], [], []>, transpose_lhs_hint = false} : vector<64x64xbf16>, vector<64x128xbf16>, vector<64x128xf32> -> vector<64x128xf32>
      %div3A_406 = arith.divf %dot_general3A_403, %dot_general3A_405 : vector<64x128xf32>
      %convert_element_type3A_407 = arith.truncf %div3A_406 : vector<64x128xf32> to vector<64x128xbf16>
      %slice3A_408 = vector.extract_strided_slice %convert_element_type3A_375 {offsets = [0, 256], sizes = [64, 128], strides = [1, 1]} : vector<64x1024xbf16> to vector<64x128xbf16>
      %slice3A_409 = vector.extract_strided_slice %convert_element_type3A_377 {offsets = [0, 256], sizes = [64, 128], strides = [1, 1]} : vector<64x1024xbf16> to vector<64x128xbf16>
      %dot_general3A_410 = arith.constant dense<0.000000e+00> : vector<64x64xf32>
      %dot_general3A_411 = tpu.matmul %slice3A_408, %slice3A_409, %dot_general3A_410 {dimension_numbers = #tpu.dot_dimension_numbers<[1], [1], [0], [0], [0, 0, 1, 0], [], []>, transpose_lhs_hint = false} : vector<64x128xbf16>, vector<64x128xbf16>, vector<64x64xf32> -> vector<64x64xf32>
      %exp3A_412 = math.exp %dot_general3A_411 : vector<64x64xf32>
      %convert_element_type3A_413 = arith.truncf %exp3A_412 : vector<64x64xf32> to vector<64x64xbf16>
      %slice3A_414 = vector.extract_strided_slice %convert_element_type3A_379 {offsets = [0, 256], sizes = [64, 128], strides = [1, 1]} : vector<64x1024xbf16> to vector<64x128xbf16>
      %dot_general3A_415 = arith.constant dense<0.000000e+00> : vector<64x128xf32>
      %dot_general3A_416 = tpu.matmul %convert_element_type3A_413, %slice3A_414, %dot_general3A_415 {dimension_numbers = #tpu.dot_dimension_numbers<[1], [0], [0], [1], [0, 0, 1, 1], [], []>, transpose_lhs_hint = false} : vector<64x64xbf16>, vector<64x128xbf16>, vector<64x128xf32> -> vector<64x128xf32>
      %dot_general3A_417 = arith.constant dense<0.000000e+00> : vector<64x128xf32>
      %dot_general3A_418 = tpu.matmul %convert_element_type3A_413, %broadcast_in_dim3A_381, %dot_general3A_417 {dimension_numbers = #tpu.dot_dimension_numbers<[1], [0], [0], [1], [0, 0, 1, 1], [], []>, transpose_lhs_hint = false} : vector<64x64xbf16>, vector<64x128xbf16>, vector<64x128xf32> -> vector<64x128xf32>
      %div3A_419 = arith.divf %dot_general3A_416, %dot_general3A_418 : vector<64x128xf32>
      %convert_element_type3A_420 = arith.truncf %div3A_419 : vector<64x128xf32> to vector<64x128xbf16>
      %slice3A_421 = vector.extract_strided_slice %convert_element_type3A_375 {offsets = [0, 384], sizes = [64, 128], strides = [1, 1]} : vector<64x1024xbf16> to vector<64x128xbf16>
      %slice3A_422 = vector.extract_strided_slice %convert_element_type3A_377 {offsets = [0, 384], sizes = [64, 128], strides = [1, 1]} : vector<64x1024xbf16> to vector<64x128xbf16>
      %dot_general3A_423 = arith.constant dense<0.000000e+00> : vector<64x64xf32>
      %dot_general3A_424 = tpu.matmul %slice3A_421, %slice3A_422, %dot_general3A_423 {dimension_numbers = #tpu.dot_dimension_numbers<[1], [1], [0], [0], [0, 0, 1, 0], [], []>, transpose_lhs_hint = false} : vector<64x128xbf16>, vector<64x128xbf16>, vector<64x64xf32> -> vector<64x64xf32>
      %exp3A_425 = math.exp %dot_general3A_424 : vector<64x64xf32>
      %convert_element_type3A_426 = arith.truncf %exp3A_425 : vector<64x64xf32> to vector<64x64xbf16>
      %slice3A_427 = vector.extract_strided_slice %convert_element_type3A_379 {offsets = [0, 384], sizes = [64, 128], strides = [1, 1]} : vector<64x1024xbf16> to vector<64x128xbf16>
      %dot_general3A_428 = arith.constant dense<0.000000e+00> : vector<64x128xf32>
      %dot_general3A_429 = tpu.matmul %convert_element_type3A_426, %slice3A_427, %dot_general3A_428 {dimension_numbers = #tpu.dot_dimension_numbers<[1], [0], [0], [1], [0, 0, 1, 1], [], []>, transpose_lhs_hint = false} : vector<64x64xbf16>, vector<64x128xbf16>, vector<64x128xf32> -> vector<64x128xf32>
      %dot_general3A_430 = arith.constant dense<0.000000e+00> : vector<64x128xf32>
      %dot_general3A_431 = tpu.matmul %convert_element_type3A_426, %broadcast_in_dim3A_381, %dot_general3A_430 {dimension_numbers = #tpu.dot_dimension_numbers<[1], [0], [0], [1], [0, 0, 1, 1], [], []>, transpose_lhs_hint = false} : vector<64x64xbf16>, vector<64x128xbf16>, vector<64x128xf32> -> vector<64x128xf32>
      %div3A_432 = arith.divf %dot_general3A_429, %dot_general3A_431 : vector<64x128xf32>
      %convert_element_type3A_433 = arith.truncf %div3A_432 : vector<64x128xf32> to vector<64x128xbf16>
      %slice3A_434 = vector.extract_strided_slice %convert_element_type3A_375 {offsets = [0, 512], sizes = [64, 128], strides = [1, 1]} : vector<64x1024xbf16> to vector<64x128xbf16>
      %slice3A_435 = vector.extract_strided_slice %convert_element_type3A_377 {offsets = [0, 512], sizes = [64, 128], strides = [1, 1]} : vector<64x1024xbf16> to vector<64x128xbf16>
      %dot_general3A_436 = arith.constant dense<0.000000e+00> : vector<64x64xf32>
      %dot_general3A_437 = tpu.matmul %slice3A_434, %slice3A_435, %dot_general3A_436 {dimension_numbers = #tpu.dot_dimension_numbers<[1], [1], [0], [0], [0, 0, 1, 0], [], []>, transpose_lhs_hint = false} : vector<64x128xbf16>, vector<64x128xbf16>, vector<64x64xf32> -> vector<64x64xf32>
      %exp3A_438 = math.exp %dot_general3A_437 : vector<64x64xf32>
      %convert_element_type3A_439 = arith.truncf %exp3A_438 : vector<64x64xf32> to vector<64x64xbf16>
      %slice3A_440 = vector.extract_strided_slice %convert_element_type3A_379 {offsets = [0, 512], sizes = [64, 128], strides = [1, 1]} : vector<64x1024xbf16> to vector<64x128xbf16>
      %dot_general3A_441 = arith.constant dense<0.000000e+00> : vector<64x128xf32>
      %dot_general3A_442 = tpu.matmul %convert_element_type3A_439, %slice3A_440, %dot_general3A_441 {dimension_numbers = #tpu.dot_dimension_numbers<[1], [0], [0], [1], [0, 0, 1, 1], [], []>, transpose_lhs_hint = false} : vector<64x64xbf16>, vector<64x128xbf16>, vector<64x128xf32> -> vector<64x128xf32>
      %dot_general3A_443 = arith.constant dense<0.000000e+00> : vector<64x128xf32>
      %dot_general3A_444 = tpu.matmul %convert_element_type3A_439, %broadcast_in_dim3A_381, %dot_general3A_443 {dimension_numbers = #tpu.dot_dimension_numbers<[1], [0], [0], [1], [0, 0, 1, 1], [], []>, transpose_lhs_hint = false} : vector<64x64xbf16>, vector<64x128xbf16>, vector<64x128xf32> -> vector<64x128xf32>
      %div3A_445 = arith.divf %dot_general3A_442, %dot_general3A_444 : vector<64x128xf32>
      %convert_element_type3A_446 = arith.truncf %div3A_445 : vector<64x128xf32> to vector<64x128xbf16>
      %slice3A_447 = vector.extract_strided_slice %convert_element_type3A_375 {offsets = [0, 640], sizes = [64, 128], strides = [1, 1]} : vector<64x1024xbf16> to vector<64x128xbf16>
      %slice3A_448 = vector.extract_strided_slice %convert_element_type3A_377 {offsets = [0, 640], sizes = [64, 128], strides = [1, 1]} : vector<64x1024xbf16> to vector<64x128xbf16>
      %dot_general3A_449 = arith.constant dense<0.000000e+00> : vector<64x64xf32>
      %dot_general3A_450 = tpu.matmul %slice3A_447, %slice3A_448, %dot_general3A_449 {dimension_numbers = #tpu.dot_dimension_numbers<[1], [1], [0], [0], [0, 0, 1, 0], [], []>, transpose_lhs_hint = false} : vector<64x128xbf16>, vector<64x128xbf16>, vector<64x64xf32> -> vector<64x64xf32>
      %exp3A_451 = math.exp %dot_general3A_450 : vector<64x64xf32>
      %convert_element_type3A_452 = arith.truncf %exp3A_451 : vector<64x64xf32> to vector<64x64xbf16>
      %slice3A_453 = vector.extract_strided_slice %convert_element_type3A_379 {offsets = [0, 640], sizes = [64, 128], strides = [1, 1]} : vector<64x1024xbf16> to vector<64x128xbf16>
      %dot_general3A_454 = arith.constant dense<0.000000e+00> : vector<64x128xf32>
      %dot_general3A_455 = tpu.matmul %convert_element_type3A_452, %slice3A_453, %dot_general3A_454 {dimension_numbers = #tpu.dot_dimension_numbers<[1], [0], [0], [1], [0, 0, 1, 1], [], []>, transpose_lhs_hint = false} : vector<64x64xbf16>, vector<64x128xbf16>, vector<64x128xf32> -> vector<64x128xf32>
      %dot_general3A_456 = arith.constant dense<0.000000e+00> : vector<64x128xf32>
      %dot_general3A_457 = tpu.matmul %convert_element_type3A_452, %broadcast_in_dim3A_381, %dot_general3A_456 {dimension_numbers = #tpu.dot_dimension_numbers<[1], [0], [0], [1], [0, 0, 1, 1], [], []>, transpose_lhs_hint = false} : vector<64x64xbf16>, vector<64x128xbf16>, vector<64x128xf32> -> vector<64x128xf32>
      %div3A_458 = arith.divf %dot_general3A_455, %dot_general3A_457 : vector<64x128xf32>
      %convert_element_type3A_459 = arith.truncf %div3A_458 : vector<64x128xf32> to vector<64x128xbf16>
      %slice3A_460 = vector.extract_strided_slice %convert_element_type3A_375 {offsets = [0, 768], sizes = [64, 128], strides = [1, 1]} : vector<64x1024xbf16> to vector<64x128xbf16>
      %slice3A_461 = vector.extract_strided_slice %convert_element_type3A_377 {offsets = [0, 768], sizes = [64, 128], strides = [1, 1]} : vector<64x1024xbf16> to vector<64x128xbf16>
      %dot_general3A_462 = arith.constant dense<0.000000e+00> : vector<64x64xf32>
      %dot_general3A_463 = tpu.matmul %slice3A_460, %slice3A_461, %dot_general3A_462 {dimension_numbers = #tpu.dot_dimension_numbers<[1], [1], [0], [0], [0, 0, 1, 0], [], []>, transpose_lhs_hint = false} : vector<64x128xbf16>, vector<64x128xbf16>, vector<64x64xf32> -> vector<64x64xf32>
      %exp3A_464 = math.exp %dot_general3A_463 : vector<64x64xf32>
      %convert_element_type3A_465 = arith.truncf %exp3A_464 : vector<64x64xf32> to vector<64x64xbf16>
      %slice3A_466 = vector.extract_strided_slice %convert_element_type3A_379 {offsets = [0, 768], sizes = [64, 128], strides = [1, 1]} : vector<64x1024xbf16> to vector<64x128xbf16>
      %dot_general3A_467 = arith.constant dense<0.000000e+00> : vector<64x128xf32>
      %dot_general3A_468 = tpu.matmul %convert_element_type3A_465, %slice3A_466, %dot_general3A_467 {dimension_numbers = #tpu.dot_dimension_numbers<[1], [0], [0], [1], [0, 0, 1, 1], [], []>, transpose_lhs_hint = false} : vector<64x64xbf16>, vector<64x128xbf16>, vector<64x128xf32> -> vector<64x128xf32>
      %dot_general3A_469 = arith.constant dense<0.000000e+00> : vector<64x128xf32>
      %dot_general3A_470 = tpu.matmul %convert_element_type3A_465, %broadcast_in_dim3A_381, %dot_general3A_469 {dimension_numbers = #tpu.dot_dimension_numbers<[1], [0], [0], [1], [0, 0, 1, 1], [], []>, transpose_lhs_hint = false} : vector<64x64xbf16>, vector<64x128xbf16>, vector<64x128xf32> -> vector<64x128xf32>
      %div3A_471 = arith.divf %dot_general3A_468, %dot_general3A_470 : vector<64x128xf32>
      %convert_element_type3A_472 = arith.truncf %div3A_471 : vector<64x128xf32> to vector<64x128xbf16>
      %slice3A_473 = vector.extract_strided_slice %convert_element_type3A_375 {offsets = [0, 896], sizes = [64, 128], strides = [1, 1]} : vector<64x1024xbf16> to vector<64x128xbf16>
      %slice3A_474 = vector.extract_strided_slice %convert_element_type3A_377 {offsets = [0, 896], sizes = [64, 128], strides = [1, 1]} : vector<64x1024xbf16> to vector<64x128xbf16>
      %dot_general3A_475 = arith.constant dense<0.000000e+00> : vector<64x64xf32>
      %dot_general3A_476 = tpu.matmul %slice3A_473, %slice3A_474, %dot_general3A_475 {dimension_numbers = #tpu.dot_dimension_numbers<[1], [1], [0], [0], [0, 0, 1, 0], [], []>, transpose_lhs_hint = false} : vector<64x128xbf16>, vector<64x128xbf16>, vector<64x64xf32> -> vector<64x64xf32>
      %exp3A_477 = math.exp %dot_general3A_476 : vector<64x64xf32>
      %convert_element_type3A_478 = arith.truncf %exp3A_477 : vector<64x64xf32> to vector<64x64xbf16>
      %slice3A_479 = vector.extract_strided_slice %convert_element_type3A_379 {offsets = [0, 896], sizes = [64, 128], strides = [1, 1]} : vector<64x1024xbf16> to vector<64x128xbf16>
      %dot_general3A_480 = arith.constant dense<0.000000e+00> : vector<64x128xf32>
      %dot_general3A_481 = tpu.matmul %convert_element_type3A_478, %slice3A_479, %dot_general3A_480 {dimension_numbers = #tpu.dot_dimension_numbers<[1], [0], [0], [1], [0, 0, 1, 1], [], []>, transpose_lhs_hint = false} : vector<64x64xbf16>, vector<64x128xbf16>, vector<64x128xf32> -> vector<64x128xf32>
      %dot_general3A_482 = arith.constant dense<0.000000e+00> : vector<64x128xf32>
      %dot_general3A_483 = tpu.matmul %convert_element_type3A_478, %broadcast_in_dim3A_381, %dot_general3A_482 {dimension_numbers = #tpu.dot_dimension_numbers<[1], [0], [0], [1], [0, 0, 1, 1], [], []>, transpose_lhs_hint = false} : vector<64x64xbf16>, vector<64x128xbf16>, vector<64x128xf32> -> vector<64x128xf32>
      %div3A_484 = arith.divf %dot_general3A_481, %dot_general3A_483 : vector<64x128xf32>
      %convert_element_type3A_485 = arith.truncf %div3A_484 : vector<64x128xf32> to vector<64x128xbf16>
      %concatenate3A_486 = tpu.concatenate %convert_element_type3A_394, %convert_element_type3A_407, %convert_element_type3A_420, %convert_element_type3A_433, %convert_element_type3A_446, %convert_element_type3A_459, %convert_element_type3A_472, %convert_element_type3A_485 in 1 : vector<64x128xbf16>, vector<64x128xbf16>, vector<64x128xbf16>, vector<64x128xbf16>, vector<64x128xbf16>, vector<64x128xbf16>, vector<64x128xbf16>, vector<64x128xbf16> -> vector<64x1024xbf16>
      %get3A_487 = arith.constant 0 : index
      %get3A_488 = arith.constant 0 : index
      %get3A_489 = vector.load %arg11[%get3A_487, %get3A_488] : memref<384x1024xbf16, #tpu.memory_space<vmem>>, vector<384x1024xbf16>
      %dot_general3A_490 = arith.constant dense<0.000000e+00> : vector<64x384xf32>
      %dot_general3A_491 = tpu.matmul %concatenate3A_486, %get3A_489, %dot_general3A_490 {dimension_numbers = #tpu.dot_dimension_numbers<[1], [1], [0], [0], [0, 0, 1, 0], [], []>, transpose_lhs_hint = false} : vector<64x1024xbf16>, vector<384x1024xbf16>, vector<64x384xf32> -> vector<64x384xf32>
      %get3A_492 = arith.constant 0 : index
      %get3A_493 = arith.constant 0 : index
      %get3A_494 = vector.load %arg12[%get3A_492, %get3A_493] : memref<1x384xf32, #tpu.memory_space<vmem>>, vector<1x384xf32>
      %add3A_495 = vector.broadcast %get3A_494 : vector<1x384xf32> to vector<64x384xf32>
      %add3A_496 = arith.addf %dot_general3A_491, %add3A_495 : vector<64x384xf32>
      %add3A_497 = arith.addf %get3A_362, %add3A_496 : vector<64x384xf32>
      %get3A_498 = arith.constant 0 : index
      %get3A_499 = arith.constant 0 : index
      %get3A_500 = vector.load %arg13[%get3A_498, %get3A_499] : memref<1x384xf32, #tpu.memory_space<vmem>>, vector<1x384xf32>
      %get3A_501 = arith.constant 0 : index
      %get3A_502 = arith.constant 0 : index
      %get3A_503 = vector.load %arg14[%get3A_501, %get3A_502] : memref<1x384xf32, #tpu.memory_space<vmem>>, vector<1x384xf32>
      %reduce_sum3A_504 = arith.constant dense<0.000000e+00> : vector<64xf32>
      %reduce_sum3A_505 = vector.multi_reduction <add>, %add3A_497, %reduce_sum3A_504 [1] : vector<64x384xf32> to vector<64xf32>
      %broadcast_in_dim3A_506 = vector.shape_cast %reduce_sum3A_505 : vector<64xf32> to vector<64x1xf32>
      %div3A_507 = arith.constant 3.840000e+02 : f32
      %div3A_508 = vector.broadcast %div3A_507 : f32 to vector<64x1xf32>
      %div3A_509 = arith.divf %broadcast_in_dim3A_506, %div3A_508 : vector<64x1xf32>
      %sub3A_510 = vector.broadcast %div3A_509 : vector<64x1xf32> to vector<64x384xf32>
      %sub3A_511 = arith.subf %add3A_497, %sub3A_510 : vector<64x384xf32>
      %mul3A_512 = arith.mulf %sub3A_511, %sub3A_511 : vector<64x384xf32>
      %reduce_sum3A_513 = arith.constant dense<0.000000e+00> : vector<64xf32>
      %reduce_sum3A_514 = vector.multi_reduction <add>, %mul3A_512, %reduce_sum3A_513 [1] : vector<64x384xf32> to vector<64xf32>
      %broadcast_in_dim3A_515 = vector.shape_cast %reduce_sum3A_514 : vector<64xf32> to vector<64x1xf32>
      %div3A_516 = arith.constant 3.840000e+02 : f32
      %div3A_517 = vector.broadcast %div3A_516 : f32 to vector<64x1xf32>
      %div3A_518 = arith.divf %broadcast_in_dim3A_515, %div3A_517 : vector<64x1xf32>
      %add3A_519 = arith.constant 9.99999974E-6 : f32
      %add3A_520 = vector.broadcast %add3A_519 : f32 to vector<64x1xf32>
      %add3A_521 = arith.addf %div3A_518, %add3A_520 : vector<64x1xf32>
      %rsqrt3A_522 = math.rsqrt %add3A_521 : vector<64x1xf32>
      %mul3A_523 = vector.broadcast %rsqrt3A_522 : vector<64x1xf32> to vector<64x384xf32>
      %mul3A_524 = arith.mulf %sub3A_511, %mul3A_523 : vector<64x384xf32>
      %mul3A_525 = vector.broadcast %get3A_500 : vector<1x384xf32> to vector<64x384xf32>
      %mul3A_526 = arith.mulf %mul3A_524, %mul3A_525 : vector<64x384xf32>
      %add3A_527 = vector.broadcast %get3A_503 : vector<1x384xf32> to vector<64x384xf32>
      %add3A_528 = arith.addf %mul3A_526, %add3A_527 : vector<64x384xf32>
      %reduce_sum3A_529 = arith.constant dense<0.000000e+00> : vector<384xf32>
      %reduce_sum3A_530 = vector.multi_reduction <add>, %add3A_528, %reduce_sum3A_529 [0] : vector<64x384xf32> to vector<384xf32>
      %broadcast_in_dim3A_531 = vector.shape_cast %reduce_sum3A_530 : vector<384xf32> to vector<1x384xf32>
      %div3A_532 = arith.constant 6.400000e+01 : f32
      %div3A_533 = vector.broadcast %div3A_532 : f32 to vector<1x384xf32>
      %div3A_534 = arith.divf %broadcast_in_dim3A_531, %div3A_533 : vector<1x384xf32>
      %broadcast_in_dim3A_535 = vector.shape_cast %div3A_534 : vector<1x384xf32> to vector<1x384xf32>
      %broadcast_in_dim3A_536 = vector.broadcast %broadcast_in_dim3A_535 : vector<1x384xf32> to vector<8x384xf32>
      %swap3A_537 = arith.constant 0 : index
      %swap3A_538 = arith.constant 0 : index
      %swap3A_539 = vector.load %arg18[%swap3A_537, %swap3A_538] : memref<8x384xf32, #tpu.memory_space<vmem>>, vector<8x384xf32>
      tpu.vector_store %arg18[%swap3A_537, %swap3A_538], %broadcast_in_dim3A_536 {strides = array<i32>} : memref<8x384xf32, #tpu.memory_space<vmem>>, vector<8x384xf32>,
    } else {
    }
    %eq3A_355 = arith.constant 0 : i32
    %eq3A_356 = arith.cmpi eq, %arg0, %eq3A_355 : i32
    %convert_element_type3A_357 = arith.extui %eq3A_356 : i1 to i32
    %cond3A_358 = arith.constant 0 : i32
    %cond3A_359 = arith.cmpi ne, %convert_element_type3A_357, %cond3A_358 : i32
    scf.if %cond3A_359 {
      %get3A_360 = arith.constant 0 : index
      %get3A_361 = arith.constant 0 : index
      %get3A_362 = vector.load %arg1[%get3A_360, %get3A_361] : memref<256x384xf32, #tpu.memory_space<vmem>>, vector<256x384xf32>
      %convert_element_type3A_363 = arith.truncf %get3A_362 : vector<256x384xf32> to vector<256x384xbf16>
      %dot_general3A_364 = arith.constant dense<0.000000e+00> : vector<256x3072xf32>
      %dot_general3A_365 = tpu.matmul %convert_element_type3A_363, %get3A_269, %dot_general3A_364 {dimension_numbers = #tpu.dot_dimension_numbers<[1], [1], [0], [0], [0, 0, 1, 0], [], []>, transpose_lhs_hint = false} : vector<256x384xbf16>, vector<3072x384xbf16>, vector<256x3072xf32> -> vector<256x3072xf32>
      %add3A_366 = vector.broadcast %get3A_272 : vector<1x3072xf32> to vector<256x3072xf32>
      %add3A_367 = arith.addf %dot_general3A_365, %add3A_366 : vector<256x3072xf32>
      %slice3A_368 = vector.extract_strided_slice %add3A_367 {offsets = [0, 0], sizes = [128, 1024], strides = [1, 1]} : vector<256x3072xf32> to vector<128x1024xf32>
      %convert_element_type3A_369 = arith.truncf %slice3A_368 : vector<128x1024xf32> to vector<128x1024xbf16>
      %swap3A_370 = arith.constant 0 : index
      %swap3A_371 = arith.constant 0 : index
      %swap3A_372 = arith.constant 0 : index
      %swap3A_373 = vector.load %arg19[%swap3A_370, %swap3A_371, %swap3A_372] : memref<8x128x1024xbf16, #tpu.memory_space<vmem>>, vector<1x128x1024xbf16>
      %swap3A_374 = vector.shape_cast %swap3A_373 : vector<1x128x1024xbf16> to vector<128x1024xbf16>
      %swap3A_375 = vector.shape_cast %convert_element_type3A_369 : vector<128x1024xbf16> to vector<1x128x1024xbf16>
      tpu.vector_store %arg19[%swap3A_370, %swap3A_371, %swap3A_372], %swap3A_375 {strides = array<i32>} : memref<8x128x1024xbf16, #tpu.memory_space<vmem>>, vector<1x128x1024xbf16>,
      %slice3A_376 = vector.extract_strided_slice %add3A_367 {offsets = [128, 0], sizes = [128, 1024], strides = [1, 1]} : vector<256x3072xf32> to vector<128x1024xf32>
      %convert_element_type3A_377 = arith.truncf %slice3A_376 : vector<128x1024xf32> to vector<128x1024xbf16>
      %swap3A_378 = arith.constant 1 : index
      %swap3A_379 = arith.constant 0 : index
      %swap3A_380 = arith.constant 0 : index
      %swap3A_381 = vector.load %arg19[%swap3A_378, %swap3A_379, %swap3A_380] : memref<8x128x1024xbf16, #tpu.memory_space<vmem>>, vector<1x128x1024xbf16>
      %swap3A_382 = vector.shape_cast %swap3A_381 : vector<1x128x1024xbf16> to vector<128x1024xbf16>
      %swap3A_383 = vector.shape_cast %convert_element_type3A_377 : vector<128x1024xbf16> to vector<1x128x1024xbf16>
      tpu.vector_store %arg19[%swap3A_378, %swap3A_379, %swap3A_380], %swap3A_383 {strides = array<i32>} : memref<8x128x1024xbf16, #tpu.memory_space<vmem>>, vector<1x128x1024xbf16>,
      %slice3A_384 = vector.extract_strided_slice %add3A_367 {offsets = [0, 1024], sizes = [128, 1024], strides = [1, 1]} : vector<256x3072xf32> to vector<128x1024xf32>
      %convert_element_type3A_385 = arith.truncf %slice3A_384 : vector<128x1024xf32> to vector<128x1024xbf16>
      %swap3A_386 = arith.constant 0 : index
      %swap3A_387 = arith.constant 0 : index
      %swap3A_388 = arith.constant 0 : index
      %swap3A_389 = vector.load %arg20[%swap3A_386, %swap3A_387, %swap3A_388] : memref<8x128x1024xbf16, #tpu.memory_space<vmem>>, vector<1x128x1024xbf16>
      %swap3A_390 = vector.shape_cast %swap3A_389 : vector<1x128x1024xbf16> to vector<128x1024xbf16>
      %swap3A_391 = vector.shape_cast %convert_element_type3A_385 : vector<128x1024xbf16> to vector<1x128x1024xbf16>
      tpu.vector_store %arg20[%swap3A_386, %swap3A_387, %swap3A_388], %swap3A_391 {strides = array<i32>} : memref<8x128x1024xbf16, #tpu.memory_space<vmem>>, vector<1x128x1024xbf16>,
      %slice3A_392 = vector.extract_strided_slice %add3A_367 {offsets = [128, 1024], sizes = [128, 1024], strides = [1, 1]} : vector<256x3072xf32> to vector<128x1024xf32>
      %convert_element_type3A_393 = arith.truncf %slice3A_392 : vector<128x1024xf32> to vector<128x1024xbf16>
      %swap3A_394 = arith.constant 1 : index
      %swap3A_395 = arith.constant 0 : index
      %swap3A_396 = arith.constant 0 : index
      %swap3A_397 = vector.load %arg20[%swap3A_394, %swap3A_395, %swap3A_396] : memref<8x128x1024xbf16, #tpu.memory_space<vmem>>, vector<1x128x1024xbf16>
      %swap3A_398 = vector.shape_cast %swap3A_397 : vector<1x128x1024xbf16> to vector<128x1024xbf16>
      %swap3A_399 = vector.shape_cast %convert_element_type3A_393 : vector<128x1024xbf16> to vector<1x128x1024xbf16>
      tpu.vector_store %arg20[%swap3A_394, %swap3A_395, %swap3A_396], %swap3A_399 {strides = array<i32>} : memref<8x128x1024xbf16, #tpu.memory_space<vmem>>, vector<1x128x1024xbf16>,
      %slice3A_400 = vector.extract_strided_slice %add3A_367 {offsets = [0, 2048], sizes = [128, 1024], strides = [1, 1]} : vector<256x3072xf32> to vector<128x1024xf32>
      %convert_element_type3A_401 = arith.truncf %slice3A_400 : vector<128x1024xf32> to vector<128x1024xbf16>
      %swap3A_402 = arith.constant 0 : index
      %swap3A_403 = arith.constant 0 : index
      %swap3A_404 = arith.constant 0 : index
      %swap3A_405 = vector.load %arg21[%swap3A_402, %swap3A_403, %swap3A_404] : memref<8x128x1024xbf16, #tpu.memory_space<vmem>>, vector<1x128x1024xbf16>
      %swap3A_406 = vector.shape_cast %swap3A_405 : vector<1x128x1024xbf16> to vector<128x1024xbf16>
      %swap3A_407 = vector.shape_cast %convert_element_type3A_401 : vector<128x1024xbf16> to vector<1x128x1024xbf16>
      tpu.vector_store %arg21[%swap3A_402, %swap3A_403, %swap3A_404], %swap3A_407 {strides = array<i32>} : memref<8x128x1024xbf16, #tpu.memory_space<vmem>>, vector<1x128x1024xbf16>,
      %slice3A_408 = vector.extract_strided_slice %add3A_367 {offsets = [128, 2048], sizes = [128, 1024], strides = [1, 1]} : vector<256x3072xf32> to vector<128x1024xf32>
      %convert_element_type3A_409 = arith.truncf %slice3A_408 : vector<128x1024xf32> to vector<128x1024xbf16>
      %swap3A_410 = arith.constant 1 : index
      %swap3A_411 = arith.constant 0 : index
      %swap3A_412 = arith.constant 0 : index
      %swap3A_413 = vector.load %arg21[%swap3A_410, %swap3A_411, %swap3A_412] : memref<8x128x1024xbf16, #tpu.memory_space<vmem>>, vector<1x128x1024xbf16>
      %swap3A_414 = vector.shape_cast %swap3A_413 : vector<1x128x1024xbf16> to vector<128x1024xbf16>
      %swap3A_415 = vector.shape_cast %convert_element_type3A_409 : vector<128x1024xbf16> to vector<1x128x1024xbf16>
      tpu.vector_store %arg21[%swap3A_410, %swap3A_411, %swap3A_412], %swap3A_415 {strides = array<i32>} : memref<8x128x1024xbf16, #tpu.memory_space<vmem>>, vector<1x128x1024xbf16>,
      %broadcast_in_dim3A_416 = arith.constant 0.000000e+00 : bf16
      %broadcast_in_dim3A_417 = vector.broadcast %broadcast_in_dim3A_416 : bf16 to vector<128x1024xbf16>
      %swap3A_418 = arith.constant 7 : index
      %swap3A_419 = arith.constant 0 : index
      %swap3A_420 = arith.constant 0 : index
      %swap3A_421 = vector.load %arg20[%swap3A_418, %swap3A_419, %swap3A_420] : memref<8x128x1024xbf16, #tpu.memory_space<vmem>>, vector<1x128x1024xbf16>
      %swap3A_422 = vector.shape_cast %swap3A_421 : vector<1x128x1024xbf16> to vector<128x1024xbf16>
      %swap3A_423 = vector.shape_cast %broadcast_in_dim3A_417 : vector<128x1024xbf16> to vector<1x128x1024xbf16>
      tpu.vector_store %arg20[%swap3A_418, %swap3A_419, %swap3A_420], %swap3A_423 {strides = array<i32>} : memref<8x128x1024xbf16, #tpu.memory_space<vmem>>, vector<1x128x1024xbf16>,
      %broadcast_in_dim3A_424 = arith.constant 0.000000e+00 : bf16
      %broadcast_in_dim3A_425 = vector.broadcast %broadcast_in_dim3A_424 : bf16 to vector<128x1024xbf16>
      %swap3A_426 = arith.constant 7 : index
      %swap3A_427 = arith.constant 0 : index
      %swap3A_428 = arith.constant 0 : index
      %swap3A_429 = vector.load %arg21[%swap3A_426, %swap3A_427, %swap3A_428] : memref<8x128x1024xbf16, #tpu.memory_space<vmem>>, vector<1x128x1024xbf16>
      %swap3A_430 = vector.shape_cast %swap3A_429 : vector<1x128x1024xbf16> to vector<128x1024xbf16>
      %swap3A_431 = vector.shape_cast %broadcast_in_dim3A_425 : vector<128x1024xbf16> to vector<1x128x1024xbf16>
      tpu.vector_store %arg21[%swap3A_426, %swap3A_427, %swap3A_428], %swap3A_431 {strides = array<i32>} : memref<8x128x1024xbf16, #tpu.memory_space<vmem>>, vector<1x128x1024xbf16>,
    } else {
    }
    return
  }
  func.func @transform_0(%arg0: i32) -> (i32, i32) {
    %sub3A = arith.constant 1 : i32
    %sub3A_0 = arith.subi %arg0, %sub3A : i32
    %max3A = arith.constant 0 : i32
    %max3A_1 = arith.maxsi %sub3A_0, %max3A : i32
    %c0_i32 = arith.constant 0 : i32
    %c0_i32_2 = arith.constant 0 : i32
    return %max3A_1, %c0_i32 : i32, i32
  }
  func.func @transform_1(%arg0: i32) -> (i32, i32) {
    %add3A = arith.constant 1 : i32
    %add3A_0 = arith.addi %arg0, %add3A : i32
    %min3A = arith.constant 15 : i32
    %min3A_1 = arith.minsi %add3A_0, %min3A : i32
    %c0_i32 = arith.constant 0 : i32
    %c0_i32_2 = arith.constant 0 : i32
    return %min3A_1, %c0_i32 : i32, i32
  }
  func.func @transform_2(%arg0: i32) -> (i32, i32) {
    %c0_i32 = arith.constant 0 : i32
    %c0_i32_0 = arith.constant 0 : i32
    %c0_i32_1 = arith.constant 0 : i32
    return %c0_i32, %c0_i32_0 : i32, i32
  }
  func.func @transform_3(%arg0: i32) -> (i32, i32) {
    %c0_i32 = arith.constant 0 : i32
    %c0_i32_0 = arith.constant 0 : i32
    %c0_i32_1 = arith.constant 0 : i32
    return %c0_i32, %c0_i32_0 : i32, i32
  }
  func.func @transform_4(%arg0: i32) -> (i32, i32) {
    %c0_i32 = arith.constant 0 : i32
    %c0_i32_0 = arith.constant 0 : i32
    %c0_i32_1 = arith.constant 0 : i32
    return %c0_i32, %c0_i32_0 : i32, i32
  }
  func.func @transform_5(%arg0: i32) -> (i32, i32) {
    %c0_i32 = arith.constant 0 : i32
    %c0_i32_0 = arith.constant 0 : i32
    %c0_i32_1 = arith.constant 0 : i32
    return %c0_i32, %c0_i32_0 : i32, i32
  }
  func.func @transform_6(%arg0: i32) -> (i32, i32) {
    %c0_i32 = arith.constant 0 : i32
    %c0_i32_0 = arith.constant 0 : i32
    %c0_i32_1 = arith.constant 0 : i32
    return %c0_i32, %c0_i32_0 : i32, i32
  }
  func.func @transform_7(%arg0: i32) -> (i32, i32) {
    %c0_i32 = arith.constant 0 : i32
    %c0_i32_0 = arith.constant 0 : i32
    %c0_i32_1 = arith.constant 0 : i32
    return %c0_i32, %c0_i32_0 : i32, i32
  }
  func.func @transform_8(%arg0: i32) -> (i32, i32) {
    %c0_i32 = arith.constant 0 : i32
    %c0_i32_0 = arith.constant 0 : i32
    %c0_i32_1 = arith.constant 0 : i32
    return %c0_i32, %c0_i32_0 : i32, i32
  }
  func.func @transform_9(%arg0: i32) -> (i32, i32) {
    %c0_i32 = arith.constant 0 : i32
    %c0_i32_0 = arith.constant 0 : i32
    %c0_i32_1 = arith.constant 0 : i32
    return %c0_i32, %c0_i32_0 : i32, i32
  }
  func.func @transform_10(%arg0: i32) -> (i32, i32) {
    %c0_i32 = arith.constant 0 : i32
    %c0_i32_0 = arith.constant 0 : i32
    %c0_i32_1 = arith.constant 0 : i32
    return %c0_i32, %c0_i32_0 : i32, i32
  }
  func.func @transform_11(%arg0: i32) -> (i32, i32) {
    %c0_i32 = arith.constant 0 : i32
    %c0_i32_0 = arith.constant 0 : i32
    %c0_i32_1 = arith.constant 0 : i32
    return %c0_i32, %c0_i32_0 : i32, i32
  }
  func.func @transform_12(%arg0: i32) -> (i32, i32) {
    %c0_i32 = arith.constant 0 : i32
    %c0_i32_0 = arith.constant 0 : i32
    %c0_i32_1 = arith.constant 0 : i32
    return %c0_i32, %c0_i32_0 : i32, i32
  }
  func.func @transform_13(%arg0: i32) -> (i32, i32) {
    %c0_i32 = arith.constant 0 : i32
    %c0_i32_0 = arith.constant 0 : i32
    %c0_i32_1 = arith.constant 0 : i32
    return %c0_i32, %c0_i32_0 : i32, i32
  }
  func.func @transform_14(%arg0: i32) -> (i32, i32, i32) {
    %sub3A = arith.constant 1 : i32
    %sub3A_0 = arith.subi %arg0, %sub3A : i32
    %max3A = arith.constant 0 : i32
    %max3A_1 = arith.maxsi %sub3A_0, %max3A : i32
    %c0_i32 = arith.constant 0 : i32
    %c0_i32_2 = arith.constant 0 : i32
    %c0_i32_3 = arith.constant 0 : i32
    return %max3A_1, %c0_i32, %c0_i32_2 : i32, i32, i32
  }
  func.func @transform_15(%arg0: i32) -> (i32, i32, i32) {
    %sub3A = arith.constant 1 : i32
    %sub3A_0 = arith.subi %arg0, %sub3A : i32
    %max3A = arith.constant 0 : i32
    %max3A_1 = arith.maxsi %sub3A_0, %max3A : i32
    %c0_i32 = arith.constant 0 : i32
    %c0_i32_2 = arith.constant 0 : i32
    %c0_i32_3 = arith.constant 0 : i32
    return %max3A_1, %c0_i32, %c0_i32_2 : i32, i32, i32
  }
  func.func @transform_16(%arg0: i32) -> (i32, i32) {
    %sub3A = arith.constant 1 : i32
    %sub3A_0 = arith.subi %arg0, %sub3A : i32
    %max3A = arith.constant 0 : i32
    %max3A_1 = arith.maxsi %sub3A_0, %max3A : i32
    %c0_i32 = arith.constant 0 : i32
    %c0_i32_2 = arith.constant 0 : i32
    return %max3A_1, %c0_i32 : i32, i32
  }
  func.func @transform_17(%arg0: i32) -> (i32, i32) {
    %c0_i32 = arith.constant 0 : i32
    %c0_i32_0 = arith.constant 0 : i32
    %c0_i32_1 = arith.constant 0 : i32
    return %c0_i32, %c0_i32_0 : i32, i32
  }
}

</mosaic_0001>

<sc_bundles>
// kernel: kernel.5.cloned.1.call-start
scs
__scs_entry_jumppad:
0x0: {  	(pc) =	sbr.rel $0x88, $3  }
0x1: {  	(tag) =	ssettag $0x0;
	lr =	simm.s32 $0x1  }
0x2: {  	[smem:$0x3F94] =	sst lr;
	_ =	strace $0xD0000000  }
0x3: {  	_ = 	snop  }
0x4: {  	_ = 	snop  }
0x5: {  	_ = 	snop  }
0x6: {  	_ = 	snop  }
0x7: {  	_ = 	snop  }
__scs_overlays_trampoline_lowered:
0x8: {  	[smem:$0x3FA3] =	sst s0  }
0x9: {  	[smem:$0x3FA4] =	sst s1  }
0xa: {  	[smem:$0x3FA5] =	sst s2  }
0xb: {  	[smem:$0x3FA6] =	sst s3  }
0xc: {  	[smem:$0x3FA7] =	sst s4  }
0xd: {  	[smem:$0x3FA8] =	sst s5  }
0xe: {  	[smem:$0x3FA9] =	sst s6  }
0xf: {  	[smem:$0x3FAA] =	sst s7  }
0x10: {  	[smem:$0x3FAB] =	sst s8  }
0x11: {  	[smem:$0x3FAC] =	sst s9;
	s0 =	simm.s32 @!p0 $0x0  }
0x12: {  	s1 =	sld [smem:$0x3F92];
	s0 =	simm.s32 @p0 $0x1  }
0x13: {  	[smem:$0x3FAD] =	sst s0;
	s0 =	simm.s32 @!p1 $0x0  }
0x14: {  	s2 =	sld [smem:$0x3F91];
	s0 =	simm.s32 @p1 $0x1  }
0x15: {  	[smem:$0x3FAE] =	sst s0;
	s0 =	simm.s32 @!p2 $0x0  }
0x16: {  	s3 =	sld [smem:$0x3FDB];
	s0 =	simm.s32 @p2 $0x1  }
0x17: {  	s4 =	simm.s32 $0x1BF5;
	[smem:$0x3FB0] =	sst s0  }
0x18: {  	s0 =	sld [smem:$0x3F93];
	_ =	swait.ge [sflag:s4], $0x0  }
0x19: {  	s7 =	sld [smem:$0x3F94]  }
0x1a: {  	s8 =	sadd.s32 $0xFFFFE003, lr  }
0x1b: {  	s9 =	sadd.s32 $0xFFFFFEF7, lr;
	s5 =	simm.s32 $0xFFFFFFFF;
	p2 =	slt.u32 s8, $0xFFFFF086  }
0x1c: {  	p1 =	slt.u32 s9, $0xF7A;
	s5 =	simm.s32 @!p2 $0x0  }
0x1d: {  	s5 =	simm.s32 @p1 $0x1;
	p0 =	seq.s32 s7, s2  }
0x1e: {  	s7 =	smul.u32 @!p0 $0xF7A, s2;
	p2 =	seq.s32 @!p0 s5, $0x0  }
0x1f: {  	s9 =	smul.u32 $0xF7A, s1;
	s8 =	simm.s32 @!p0 $0x1BF5;
	p2 =	por !p2, p0  }
0x20: {  	[sflag:s8] =	ssyncset.s32 @!p0 $0xFFFFF086;
	s6 =	sadd.s32 @!p0 s3, s7;
	s7 =	simm.s32 @!p0 $0x108  }
0x21: {  	s3 =	sadd.s32 s3, s9;
	s6 =	sadd.s32 @!p0 $0x88, s6;
	s7 =	simm.s32 @p2 $0x1082  }
0x22: {  	[simem:s7], [sflag:s8] =	dma.local @!p0 [hbm:s6], $0xF7A  }
0x23: {  	s9 =	sor.u32 $0xD0000000, s2;
	s6 =	simm.s32 $0x108;
	_ =	swait.ge @!p0 [sflag:s8], $0x0  }
0x24: {  	s3 =	sadd.s32 $0x88, s3;
	s6 =	simm.s32 @!p1 $0x1082;
	[sflag:s4] =	ssyncset.s32 $0xFFFFF086  }
0x25: {  	[simem:s6], [sflag:s4] =	dma.local [hbm:s3], $0xF7A  }
0x26: {  	[smem:$0x3F94] =	sst s1;
	(tag) =	ssettag s2;
	_ =	strace s9  }
0x27: {  	s1 =	sld [smem:$0x3FA4]  }
0x28: {  	s2 =	sld [smem:$0x3FA5]  }
0x29: {  	s4 =	sld [smem:$0x3FA7]  }
0x2a: {  	p0 =	seq.s32 s5, $0x0;
	s5 =	sld [smem:$0x3FA8]  }
0x2b: {  	s6 =	sld [smem:$0x3FA9]  }
0x2c: {  	s7 =	sld [smem:$0x3FAA]  }
0x2d: {  	s3 =	simm.s32 $0x108;
	s8 =	sld [smem:$0x3FAB]  }
0x2e: {  	s3 =	simm.s32 @!p0 $0x1082;
	s9 =	sld [smem:$0x3FAC]  }
0x2f: {  	lr =	sadd.s32 s0, s3;
	s0 =	sld [smem:$0x3FA3]  }
0x30: {  	s3 =	sld [smem:$0x3FA6]  }
0x31: {  	[smem:$0x3FAF] =	sst s10  }
0x32: {  	s10 =	sld [smem:$0x3FAD];
	_ =	sdelay $0x3  }
0x33: {  	p0 =	seq.s32 s10, $0x1;
	s10 =	sld [smem:$0x3FAF];
	_ =	sdelay $0x3  }
0x34: {  	[smem:$0x3FAF] =	sst s10  }
0x35: {  	s10 =	sld [smem:$0x3FAE];
	_ =	sdelay $0x3  }
0x36: {  	p1 =	seq.s32 s10, $0x1;
	s10 =	sld [smem:$0x3FAF];
	_ =	sdelay $0x3  }
0x37: {  	[smem:$0x3FAF] =	sst s10  }
0x38: {  	s10 =	sld [smem:$0x3FB0]  }
0x39: {  	_ = 	snop;
	(pc) =	sbr.ind lr, $3  }
0x3a: {  	_ = 	snop  }
0x3b: {  	_ = 	snop  }
0x3c: {  	p2 =	seq.s32 s10, $0x1;
	s10 =	sld [smem:$0x3FAF]  }
0x3d: {  	_ =	shalt  }
0x3e: {  	_ =	shalt  }
0x3f: {  	_ =	shalt  }
0x40: {  	_ =	shalt  }
0x41: {  	_ =	shalt  }
0x42: {  	_ =	shalt  }
0x43: {  	_ =	shalt  }
0x44: {  	_ =	shalt  }
0x45: {  	_ =	shalt  }
0x46: {  	_ =	shalt  }
0x47: {  	_ =	shalt  }
0x48: {  	_ =	shalt  }
0x49: {  	_ =	shalt  }
0x4a: {  	_ =	shalt  }
0x4b: {  	_ =	shalt  }
0x4c: {  	_ =	shalt  }
0x4d: {  	_ =	shalt  }
0x4e: {  	_ =	shalt  }
0x4f: {  	_ =	shalt  }
0x50: {  	_ =	shalt  }
0x51: {  	_ =	shalt  }
0x52: {  	_ =	shalt  }
0x53: {  	_ =	shalt  }
0x54: {  	_ =	shalt  }
0x55: {  	_ =	shalt  }
0x56: {  	_ =	shalt  }
0x57: {  	_ =	shalt  }
0x58: {  	_ =	shalt  }
0x59: {  	_ =	shalt  }
0x5a: {  	_ =	shalt  }
0x5b: {  	_ =	shalt  }
0x5c: {  	_ =	shalt  }
0x5d: {  	_ =	shalt  }
0x5e: {  	_ =	shalt  }
0x5f: {  	_ =	shalt  }
0x60: {  	_ =	shalt  }
0x61: {  	_ =	shalt  }
0x62: {  	_ =	shalt  }
0x63: {  	_ =	shalt  }
0x64: {  	_ =	shalt  }
0x65: {  	_ =	shalt  }
0x66: {  	_ =	shalt  }
0x67: {  	_ =	shalt  }
0x68: {  	_ =	shalt  }
0x69: {  	_ =	shalt  }
0x6a: {  	_ =	shalt  }
0x6b: {  	_ =	shalt  }
0x6c: {  	_ =	shalt  }
0x6d: {  	_ =	shalt  }
0x6e: {  	_ =	shalt  }
0x6f: {  	_ =	shalt  }
0x70: {  	_ =	shalt  }
0x71: {  	_ =	shalt  }
0x72: {  	_ =	shalt  }
0x73: {  	_ =	shalt  }
0x74: {  	_ =	shalt  }
0x75: {  	_ =	shalt  }
0x76: {  	_ =	shalt  }
0x77: {  	_ =	shalt  }
0x78: {  	_ =	shalt  }
0x79: {  	_ =	shalt  }
0x7a: {  	_ =	shalt  }
0x7b: {  	_ =	shalt  }
0x7c: {  	_ =	shalt  }
0x7d: {  	_ =	shalt  }
0x7e: {  	_ =	shalt  }
0x7f: {  	_ =	shalt  }
0x80: {  	_ =	shalt  }
0x81: {  	_ =	shalt  }
0x82: {  	_ =	shalt  }
0x83: {  	_ =	shalt  }
0x84: {  	_ =	shalt  }
0x85: {  	_ =	shalt  }
0x86: {  	_ =	shalt  }
0x87: {  	_ =	shalt  }
.Lfunc_end0:
.L_simem_size_0:
called_computation_lowered:
.L_overlay_start_0:
0x88: {  	s2 =	sld [smem:$0x3FD9]  }
0x89: {  	s3 =	sld [smem:$0x3FFE];
	_ =	sdelay $0x1  }
0x8a: {  	s1 =	srdreg.scid  }
0x8b: {  	s0 =	sand.u32 $0x1, s1  }
0x8c: {  	s17 =	sshll.u32 s0, $0xA;
	s2 =	sadd.s32 s3, s2  }
0x8d: {  	s2 =	sadd.s32 s2, s17  }
0x8e: {  	[smem:$0x3FBB] =	sst s2  }
0x8f: {  	_ = 	snop  }
0x90: {  	s2 =	sld [smem:$0x3FC9]  }
0x91: {  	s18 =	sld [smem:$0x3FD0];
	(tm) =	ssettm $0x1  }
0x92: {  	s4 =	sld [smem:$0x3FFB];
	_ =	sdelay $0x3  }
0x93: {  	_ =	strace s4  }
0x94: {  	s4 =	sld [smem:$0x3FFC];
	_ =	sdelay $0x3  }
0x95: {  	_ =	strace s4  }
0x96: {  	s4 =	sld [smem:$0x3FFD];
	_ =	sdelay $0x3  }
0x97: {  	_ =	strace s4  }
0x98: {  	_ =	strace $0x8FFFFFFF  }
0x99: {  	s19 =	sld [smem:$0x3FDB];
	_ =	sdelay $0x1  }
0x9a: {  	s5 =	simm.s32 $_scs_section_size  }
0x9b: {  	s6 =	simm.s32 $_size__tile_overlayer_lowered;
	s7 =	simm.s32 $_tile_overlayer_lowered  }
0x9c: {  	s22 =	simm.s32 $0x1BFF;
	s21 =	sshll.u32 s7, $0x1;
	s4 =	sadd.s32 s5, s19  }
0x9d: {  	s8 =	simm.s32 $0x0;
	s20 =	sshll.u32 s6, $0x1;
	s6 =	sadd.s32 s21, s4  }
0x9e: {  	[timem:s8], [sflag:s22] =	dma.local [hbm:s6], s20  }
0x9f: {  	_ =	swait.ge [sflag:s22], s20  }
0xa0: {  	s5 =	ssub.s32 $0x0, s20;
	[sflag:s22] =	ssyncset.done $0x0  }
0xa1: {  	[sflag:s22] =	ssyncadd.s32 s5;
	_ =	sdelay $0x1  }
0xa2: {  	s23 =	simm.s32 $0x1B8B  }
0xa3: {  	_ =	swait.ge [sflag:s23], $0x1  }
0xa4: {  	[sflag:s23] =	ssyncset.done $0x0  }
0xa5: {  	s25 =	simm.s32 $0x1B8E;
	s24 =	sld [smem:$0x3FFE];
	[sflag:s23] =	ssyncadd.s32 $0xFFFFFFFF  }
0xa6: {  	s26 =	simm.s32 $execute0_lowered;
	[smem:$0x3FD2] =	sst s25  }
0xa7: {  	s6 =	sshll.u32 s26, $0x1;
	_ =	strace $0x80000046;
	[dreg:$0x1] =	wrdreg $0xFFFFFFFF  }
0xa8: {  	s28 =	simm.s32 $_size_execute0_lowered;
	s4 =	sadd.s32 s4, s6;
	[dreg:$0x0] =	wrdreg $0x0  }
0xa9: {  	s6 =	sshll.u32 s28, $0x1;
	[dreg:$0x2] =	wrdreg s4  }
0xaa: {  	[dreg:$0x3] =	wrdreg s6  }
0xab: {  	[dreg:$0x4] =	wrdreg $0xC0  }
0xac: {  	_ =	task [dreg:s8], $0x5FFFF  }
0xad: {  	[dreg:$0x1] =	wrdreg $0xFFFFFFFF  }
0xae: {  	[dreg:$0x0] =	wrdreg $0x60  }
0xaf: {  	[dreg:$0x2] =	wrdreg s2  }
0xb0: {  	[dreg:$0x3] =	wrdreg s24  }
0xb1: {  	[dreg:$0x4] =	wrdreg s18  }
0xb2: {  	[dreg:$0x5] =	wrdreg $0x9  }
0xb3: {  	_ =	task.clear_ibuf [dreg:s8], $0x6FFFF;
	_ =	strace $0x90000046  }
0xb4: {  	s29 =	simm.s32 $0x9;
	_ =	strace $0x80000048  }
0xb5: {  	_ =	swait.ge [sflag:s29], $0x1  }
0xb6: {  	[sflag:s29] =	ssyncadd.s32 $0xFFFFFFFF  }
0xb7: {  	_ =	strace $0x90000048  }
0xb8: {  	_ =	sfence  }
0xb9: {  	s30 =	sld [smem:$0x0];
	_ =	sdelay $0x2  }
0xba: {  	s31 =	sshll.u32 s1, $0xD;
	s1 =	sshrl.u32 s1, $0x2  }
0xbb: {  	s3 =	sand.u32 $0x4000, s31;
	s1 =	sadd.s32 s1, s30  }
0xbc: {  	s0 =	sor.u32 s3, s0;
	s1 =	sshll.u32 s1, $0x11  }
0xbd: {  	s0 =	sor.u32 s1, s0  }
0xbe: {  	s0 =	sadd.s32 $0x8F2B, s0  }
0xbf: {  	[sflag:s0] =	ssyncadd.remote.s32 $0x1  }
0xc0: {  	_ =	sfence.sel $0xFFFF  }
0xc1: {  	[dreg:$0x0] =	wrdreg $0xFFFFFFFF;
	(pc) =	sbr.abs _section_cstart, $3  }
0xc2: {  	[dreg:$0x1] =	wrdreg $0xFFFFFFFF  }
0xc3: {  	_ =	task.clear_ibuf [dreg:s8], $0x2FFFF;
	_ =	strace $0x9FFFFFFF  }
0xc4: {  	(tm) =	ssettm $0x7FFFFFFF  }
0xc5: {  	_ =	shalt  }
tec
execute0_lowered:
.L_overlay_start_1:
0x0: {  	(tag) =	ssettag $0x1  }
0x1: {  	s1 =	rddreg [dreg:$0x0];
	s2 =	srdreg.scid  }
0x2: {  	s4 =	rddreg [dreg:$0x1];
	s0 =	stileid.u32  }
0x3: {  	s5 =	rddreg [dreg:$0x2];
	s3 =	simm.s32 $0x0;
	s18 =	simm.s32 $0x880  }
0x4: {  	s19 =	simm.s32 $0xC80;
	s20 =	simm.s32 $0x1480;
	s21 =	simm.s32 $0x1880  }
0x5: {  	s23 =	simm.s32 $0x2080;
	s24 =	simm.s32 $0x2480;
	s25 =	simm.s32 $0x2C80  }
0x6: {  	s26 =	simm.s32 $0x3080;
	s9 =	simm.s32 $0x3C80;
	[smem:$0x7FF] =	sst s3  }
0x7: {  	s10 =	simm.s32 $0x4480;
	_ =	strace $0x80000047;
	[dreg:$0x6] =	wrdreg s18  }
0x8: {  	s11 =	simm.s32 $0x4880;
	s12 =	simm.s32 $0x5080;
	[dreg:$0x7] =	wrdreg s19  }
0x9: {  	s13 =	simm.s32 $0x5480;
	s14 =	simm.s32 $0x5C80;
	[dreg:$0x8] =	wrdreg s20  }
0xa: {  	s15 =	simm.s32 $0x6080;
	s16 =	simm.s32 $0x6880;
	[dreg:$0x9] =	wrdreg s21  }
0xb: {  	s28 =	simm.s32 $0xA880;
	s29 =	simm.s32 $0xB080;
	[dreg:$0xa] =	wrdreg s23  }
0xc: {  	s30 =	simm.s32 $0xB480;
	s31 =	simm.s32 $0xBC80;
	[dreg:$0xb] =	wrdreg s24  }
0xd: {  	s2 =	sand.u32 $0x1, s2;
	s6 =	sshll.u32 s0, $0x5;
	[dreg:$0xc] =	wrdreg s25  }
0xe: {  	s7 =	sshll.u32 s2, $0x4;
	s2 =	ssub.s32 $0x2, s2;
	[dreg:$0xd] =	wrdreg s26  }
0xf: {  	s18 =	simm.s32 $0x7480;
	s19 =	simm.s32 $0x7880;
	s20 =	simm.s32 $0x8080  }
0x10: {  	s21 =	simm.s32 $0x8480;
	s23 =	simm.s32 $0x9080;
	s24 =	simm.s32 $0x9880  }
0x11: {  	s25 =	simm.s32 $0x9C80;
	s26 =	simm.s32 $0xA480;
	s6 =	sor.u32 s7, s6  }
0x12: {  	s22 =	sshrl.u32 s2, $0x1;
	s4 =	sadd.s32 s6, s4;
	s6 =	smul.u32 $0x180, s6  }
0x13: {  	s7 =	simm.s32 $0x80;
	s2 =	ssub.s32 s2, s22;
	s4 =	sadd.s32 $0x2E00, s4  }
0x14: {  	v2 =	vlaneseq.u32;
	s22 =	simm.s32 $0x8C80;
	[dreg:$0x4] =	wrdreg s4;
	s17 =	sadd.s32 s5, s6  }
0x15: {  	vm0 =	vmmov $0xffff;
	vm1 =	vmmov $0xff;
	v1 =	vshrl.u32 v2, $0x3;
	s4 =	sadd.s32 $0x100, s1;
	s5 =	smax.u32 s2, $0x1;
	s6 =	simm.s32 $0x2  }
0x16: {  	v0 =	vand.u32 $0x7, v2;
	v2 =	vor.u32 $0x8, v2;
	v1 =	vmul.u32 $0x8, v1;
	s2 =	simm.s32 $0x1;
	[dreg:$0x5] =	wrdreg s17;
	s17 =	simm.s32 $0x6C80  }
.LBB2_1:
0x17: {  	s0 =	rddreg [dreg:$0x4]  }
0x18: {  	[tilespmem:s3], [sflag:$0x2] =	stream.linear.gather [hbm4b:s0+s3], $0x80, $0x38;
	[tilespmem:$0xC080] =	vst v63  }
0x19: {  	_ =	swait.ge [sflag:s6], $0x80  }
0x1a: {  	[sflag:s6] =	ssyncset.done $0x0  }
0x1b: {  	[sflag:s6] =	ssyncadd.s32 $0xFFFFFF80  }
0x1c: {  	v3 =	vld [tilespmem:$0x0];
	_ =	sdelay $0x4  }
0x1d: {  	v4 =	vshrl.u32 v3, $0x3  }
0x1e: {  	v4 =	vmul.u32 $0x18, v4  }
0x1f: {  	v3 =	vand.u32 $0x7, v3  }
0x20: {  	v3 =	vor.u32 v3, v4  }
0x21: {  	v4 =	vperm.xlane v3, v0;
	_ =	sdelay $0x1  }
0x22: {  	v4 =	vadd.s32 v1, v4;
	_ =	sdelay $0x1  }
0x23: {  	v3 =	vperm.xlane v3, v2;
	_ =	sdelay $0x1  }
0x24: {  	v3 =	vadd.s32 v1, v3  }
0x25: {  	[tilespmem:s7], [sflag:$0x1] =	stream.indirect_vreg.gather [hbm4b:s1+s3], $0x80, v4, vm0, $0xb8;
	[tilespmem:$0xC080] =	vst v63  }
0x26: {  	s0 =	rddreg [dreg:$0x6]  }
0x27: {  	[tilespmem:s0], [sflag:$0x1] =	stream.indirect_vreg.gather [hbm4b:s4+s3], $0x80, v4, vm1, $0xb8;
	[tilespmem:$0xC080] =	vst v63  }
0x28: {  	s8 =	rddreg [dreg:$0x7]  }
0x29: {  	[tilespmem:s8], [sflag:$0x1] =	stream.indirect_vreg.gather [hbm4b:s1+s3], $0x80, v3, vm0, $0xb8;
	[tilespmem:$0xC080] =	vst v63  }
0x2a: {  	s0 =	rddreg [dreg:$0x8]  }
0x2b: {  	[tilespmem:s0], [sflag:$0x1] =	stream.indirect_vreg.gather [hbm4b:s4+s3], $0x80, v3, vm1, $0xb8;
	[tilespmem:$0xC080] =	vst v63  }
0x2c: {  	v3 =	vld [tilespmem:$0x10];
	_ =	sdelay $0x4  }
0x2d: {  	v57 =	vshrl.u32 v3, $0x3  }
0x2e: {  	v4 =	vmul.u32 $0x18, v57  }
0x2f: {  	v3 =	vand.u32 $0x7, v3  }
0x30: {  	v3 =	vor.u32 v3, v4  }
0x31: {  	v4 =	vperm.xlane v3, v0;
	_ =	sdelay $0x1  }
0x32: {  	v4 =	vadd.s32 v1, v4;
	_ =	sdelay $0x1  }
0x33: {  	v3 =	vperm.xlane v3, v2;
	_ =	sdelay $0x1  }
0x34: {  	s0 =	rddreg [dreg:$0x9];
	v3 =	vadd.s32 v1, v3  }
0x35: {  	[tilespmem:s0], [sflag:$0x1] =	stream.indirect_vreg.gather [hbm4b:s1+s3], $0x80, v4, vm0, $0xb8;
	[tilespmem:$0xC080] =	vst v63  }
0x36: {  	s8 =	rddreg [dreg:$0xa]  }
0x37: {  	[tilespmem:s8], [sflag:$0x1] =	stream.indirect_vreg.gather [hbm4b:s4+s3], $0x80, v4, vm1, $0xb8;
	[tilespmem:$0xC080] =	vst v63  }
0x38: {  	s0 =	rddreg [dreg:$0xb]  }
0x39: {  	[tilespmem:s0], [sflag:$0x1] =	stream.indirect_vreg.gather [hbm4b:s1+s3], $0x80, v3, vm0, $0xb8;
	[tilespmem:$0xC080] =	vst v63  }
0x3a: {  	s8 =	rddreg [dreg:$0xc]  }
0x3b: {  	[tilespmem:s8], [sflag:$0x1] =	stream.indirect_vreg.gather [hbm4b:s4+s3], $0x80, v3, vm1, $0xb8;
	[tilespmem:$0xC080] =	vst v63  }
0x3c: {  	v3 =	vld [tilespmem:$0x20];
	_ =	sdelay $0x4  }
0x3d: {  	v58 =	vshrl.u32 v3, $0x3  }
0x3e: {  	v4 =	vmul.u32 $0x18, v58  }
0x3f: {  	v3 =	vand.u32 $0x7, v3  }
0x40: {  	v3 =	vor.u32 v3, v4  }
0x41: {  	v4 =	vperm.xlane v3, v0;
	_ =	sdelay $0x1  }
0x42: {  	v4 =	vadd.s32 v1, v4;
	_ =	sdelay $0x1  }
0x43: {  	v3 =	vperm.xlane v3, v2;
	_ =	sdelay $0x1  }
0x44: {  	s8 =	rddreg [dreg:$0xd];
	v3 =	vadd.s32 v1, v3  }
0x45: {  	[tilespmem:s8], [sflag:$0x1] =	stream.indirect_vreg.gather [hbm4b:s1+s3], $0x80, v4, vm0, $0xb8;
	[tilespmem:$0xC080] =	vst v63  }
0x46: {  	s8 =	simm.s32 $0x3880  }
0x47: {  	[tilespmem:s8], [sflag:$0x1] =	stream.indirect_vreg.gather [hbm4b:s4+s3], $0x80, v4, vm1, $0xb8;
	[tilespmem:$0xC080] =	vst v63  }
0x48: {  	_ = 	snop  }
0x49: {  	[tilespmem:s9], [sflag:$0x1] =	stream.indirect_vreg.gather [hbm4b:s1+s3], $0x80, v3, vm0, $0xb8;
	[tilespmem:$0xC080] =	vst v63  }
0x4a: {  	_ = 	snop  }
0x4b: {  	[tilespmem:s10], [sflag:$0x1] =	stream.indirect_vreg.gather [hbm4b:s4+s3], $0x80, v3, vm1, $0xb8;
	[tilespmem:$0xC080] =	vst v63  }
0x4c: {  	v3 =	vld [tilespmem:$0x30];
	_ =	sdelay $0x4  }
0x4d: {  	v59 =	vshrl.u32 v3, $0x3  }
0x4e: {  	v4 =	vmul.u32 $0x18, v59  }
0x4f: {  	v3 =	vand.u32 $0x7, v3  }
0x50: {  	v3 =	vor.u32 v3, v4  }
0x51: {  	v4 =	vperm.xlane v3, v0;
	_ =	sdelay $0x1  }
0x52: {  	v4 =	vadd.s32 v1, v4;
	_ =	sdelay $0x1  }
0x53: {  	v3 =	vperm.xlane v3, v2;
	_ =	sdelay $0x1  }
0x54: {  	v3 =	vadd.s32 v1, v3  }
0x55: {  	[tilespmem:s11], [sflag:$0x1] =	stream.indirect_vreg.gather [hbm4b:s1+s3], $0x80, v4, vm0, $0xb8;
	[tilespmem:$0xC080] =	vst v63  }
0x56: {  	_ = 	snop  }
0x57: {  	[tilespmem:s12], [sflag:$0x1] =	stream.indirect_vreg.gather [hbm4b:s4+s3], $0x80, v4, vm1, $0xb8;
	[tilespmem:$0xC080] =	vst v63  }
0x58: {  	_ = 	snop  }
0x59: {  	[tilespmem:s13], [sflag:$0x1] =	stream.indirect_vreg.gather [hbm4b:s1+s3], $0x80, v3, vm0, $0xb8;
	[tilespmem:$0xC080] =	vst v63  }
0x5a: {  	_ = 	snop  }
0x5b: {  	[tilespmem:s14], [sflag:$0x1] =	stream.indirect_vreg.gather [hbm4b:s4+s3], $0x80, v3, vm1, $0xb8;
	[tilespmem:$0xC080] =	vst v63  }
0x5c: {  	v3 =	vld [tilespmem:$0x40];
	_ =	sdelay $0x4  }
0x5d: {  	v60 =	vshrl.u32 v3, $0x3  }
0x5e: {  	v4 =	vmul.u32 $0x18, v60  }
0x5f: {  	v3 =	vand.u32 $0x7, v3  }
0x60: {  	v3 =	vor.u32 v3, v4  }
0x61: {  	v4 =	vperm.xlane v3, v0;
	_ =	sdelay $0x1  }
0x62: {  	v4 =	vadd.s32 v1, v4;
	_ =	sdelay $0x1  }
0x63: {  	v3 =	vperm.xlane v3, v2;
	_ =	sdelay $0x1  }
0x64: {  	v3 =	vadd.s32 v1, v3  }
0x65: {  	[tilespmem:s15], [sflag:$0x1] =	stream.indirect_vreg.gather [hbm4b:s1+s3], $0x80, v4, vm0, $0xb8;
	[tilespmem:$0xC080] =	vst v63  }
0x66: {  	_ = 	snop  }
0x67: {  	[tilespmem:s16], [sflag:$0x1] =	stream.indirect_vreg.gather [hbm4b:s4+s3], $0x80, v4, vm1, $0xb8;
	[tilespmem:$0xC080] =	vst v63  }
0x68: {  	_ = 	snop  }
0x69: {  	[tilespmem:s17], [sflag:$0x1] =	stream.indirect_vreg.gather [hbm4b:s1+s3], $0x80, v3, vm0, $0xb8;
	[tilespmem:$0xC080] =	vst v63  }
0x6a: {  	_ = 	snop  }
0x6b: {  	[tilespmem:s18], [sflag:$0x1] =	stream.indirect_vreg.gather [hbm4b:s4+s3], $0x80, v3, vm1, $0xb8;
	[tilespmem:$0xC080] =	vst v63  }
0x6c: {  	v3 =	vld [tilespmem:$0x50];
	_ =	sdelay $0x4  }
0x6d: {  	v61 =	vshrl.u32 v3, $0x3  }
0x6e: {  	v4 =	vmul.u32 $0x18, v61  }
0x6f: {  	v3 =	vand.u32 $0x7, v3  }
0x70: {  	v3 =	vor.u32 v3, v4  }
0x71: {  	v4 =	vperm.xlane v3, v0;
	_ =	sdelay $0x1  }
0x72: {  	v4 =	vadd.s32 v1, v4;
	_ =	sdelay $0x1  }
0x73: {  	v3 =	vperm.xlane v3, v2;
	_ =	sdelay $0x1  }
0x74: {  	v3 =	vadd.s32 v1, v3  }
0x75: {  	[tilespmem:s19], [sflag:$0x1] =	stream.indirect_vreg.gather [hbm4b:s1+s3], $0x80, v4, vm0, $0xb8;
	[tilespmem:$0xC080] =	vst v63  }
0x76: {  	_ = 	snop  }
0x77: {  	[tilespmem:s20], [sflag:$0x1] =	stream.indirect_vreg.gather [hbm4b:s4+s3], $0x80, v4, vm1, $0xb8;
	[tilespmem:$0xC080] =	vst v63  }
0x78: {  	_ = 	snop  }
0x79: {  	[tilespmem:s21], [sflag:$0x1] =	stream.indirect_vreg.gather [hbm4b:s1+s3], $0x80, v3, vm0, $0xb8;
	[tilespmem:$0xC080] =	vst v63  }
0x7a: {  	_ = 	snop  }
0x7b: {  	[tilespmem:s22], [sflag:$0x1] =	stream.indirect_vreg.gather [hbm4b:s4+s3], $0x80, v3, vm1, $0xb8;
	[tilespmem:$0xC080] =	vst v63  }
0x7c: {  	v3 =	vld [tilespmem:$0x60];
	_ =	sdelay $0x4  }
0x7d: {  	v62 =	vshrl.u32 v3, $0x3  }
0x7e: {  	v4 =	vmul.u32 $0x18, v62  }
0x7f: {  	v3 =	vand.u32 $0x7, v3  }
0x80: {  	v3 =	vor.u32 v3, v4  }
0x81: {  	v4 =	vperm.xlane v3, v0;
	_ =	sdelay $0x1  }
0x82: {  	v4 =	vadd.s32 v1, v4;
	_ =	sdelay $0x1  }
0x83: {  	v3 =	vperm.xlane v3, v2;
	_ =	sdelay $0x1  }
0x84: {  	v3 =	vadd.s32 v1, v3  }
0x85: {  	[tilespmem:s23], [sflag:$0x1] =	stream.indirect_vreg.gather [hbm4b:s1+s3], $0x80, v4, vm0, $0xb8;
	[tilespmem:$0xC080] =	vst v63  }
0x86: {  	_ = 	snop  }
0x87: {  	[tilespmem:s24], [sflag:$0x1] =	stream.indirect_vreg.gather [hbm4b:s4+s3], $0x80, v4, vm1, $0xb8;
	[tilespmem:$0xC080] =	vst v63  }
0x88: {  	_ = 	snop  }
0x89: {  	[tilespmem:s25], [sflag:$0x1] =	stream.indirect_vreg.gather [hbm4b:s1+s3], $0x80, v3, vm0, $0xb8;
	[tilespmem:$0xC080] =	vst v63  }
0x8a: {  	_ = 	snop  }
0x8b: {  	[tilespmem:s26], [sflag:$0x1] =	stream.indirect_vreg.gather [hbm4b:s4+s3], $0x80, v3, vm1, $0xb8;
	[tilespmem:$0xC080] =	vst v63  }
0x8c: {  	v3 =	vld [tilespmem:$0x70];
	_ =	sdelay $0x4  }
0x8d: {  	v63 =	vshrl.u32 v3, $0x3  }
0x8e: {  	v4 =	vmul.u32 $0x18, v63  }
0x8f: {  	v3 =	vand.u32 $0x7, v3  }
0x90: {  	v3 =	vor.u32 v3, v4  }
0x91: {  	v4 =	vperm.xlane v3, v0;
	_ =	sdelay $0x1  }
0x92: {  	v4 =	vadd.s32 v1, v4;
	_ =	sdelay $0x1  }
0x93: {  	v3 =	vperm.xlane v3, v2;
	_ =	sdelay $0x1  }
0x94: {  	v3 =	vadd.s32 v1, v3  }
0x95: {  	[tilespmem:s28], [sflag:$0x1] =	stream.indirect_vreg.gather [hbm4b:s1+s3], $0x80, v4, vm0, $0xb8;
	[tilespmem:$0xC080] =	vst v63  }
0x96: {  	_ = 	snop  }
0x97: {  	[tilespmem:s29], [sflag:$0x1] =	stream.indirect_vreg.gather [hbm4b:s4+s3], $0x80, v4, vm1, $0xb8;
	[tilespmem:$0xC080] =	vst v63  }
0x98: {  	_ = 	snop  }
0x99: {  	[tilespmem:s30], [sflag:$0x1] =	stream.indirect_vreg.gather [hbm4b:s1+s3], $0x80, v3, vm0, $0xb8;
	[tilespmem:$0xC080] =	vst v63  }
0x9a: {  	_ = 	snop  }
0x9b: {  	[tilespmem:s31], [sflag:$0x1] =	stream.indirect_vreg.gather [hbm4b:s4+s3], $0x80, v3, vm1, $0xb8;
	[tilespmem:$0xC080] =	vst v63  }
0x9c: {  	_ =	swait.ge [sflag:s2], $0xC000  }
0x9d: {  	p0 =	sne.s32 s5, $0x1;
	[sflag:s2] =	ssyncset.done $0x0  }
.Ltmp0:
0x9e: {  	s8 =	rddreg [dreg:$0x5];
	[sflag:s2] =	ssyncadd.s32 $0xFFFF4000;
	(pc) =	sbr.rel @p0 .LBB2_1-.Ltmp0, $4  }
0x9f: {  	[hbm4b:s8+s3] =	stream.linear.scatter [tilespmem:s7], [sflag:$0x2], $0xC000, $0x38;
	[tilespmem:$0xC080] =	vst v63  }
0xa0: {  	_ =	swait.ge [sflag:s6], $0xC000  }
0xa1: {  	[sflag:s6] =	ssyncset.done $0x0  }
0xa2: {  	s5 =	sadd.s32 $0xFFFFFFFF, s5;
	[sflag:s6] =	ssyncadd.s32 $0xFFFF4000  }
0xa3: {  	_ =	sfence.sel $0x180000  }
0xa4: {  	[bflag:$0x0] =	sbarrier.arrive $0xFFFF  }
0xa5: {  	_ =	strace $0x90000047  }
0xa6: {  	s0 =	stileid.u32;
	[bflag:$0x2] =	sbarrier.arrive $0xFFFF  }
0xa7: {  	p0 =	sne.s32 s0, $0x0;
	s0 =	rddreg [dreg:$0x3]  }
0xa8: {  	s0 =	sadd.s32 @!p0 $0x100000, s0  }
0xa9: {  	[sflag:s0] =	ssyncadd.tile.s32 @!p0 $0x1;
	_ =	shalt  }
.Lfunc_end2:
_tile_overlayer_lowered:
.L_overlay_start_2:
0xaa: {  	(tag) =	ssettag $0x2  }
0xab: {  	s0 =	rddreg [dreg:$0x0];
	s2 =	stileid.u32  }
0xac: {  	s1 =	rddreg [dreg:$0x1];
	p0 =	sne.s32 s2, $0x0  }
0xad: {  	s3 =	rddreg [dreg:$0x2];
	[bflag:$0x3] =	sbarrier.arrive $0xFFFF;
	s2 =	simm.s32 @!p0 $0x1C02  }
0xae: {  	[timem:s3], [sflag:s2] =	dma.local @!p0 [hbm:s0], s1  }
0xaf: {  	s0 =	simm.s32 @!p0 $0x2  }
0xb0: {  	_ =	swait.ge @!p0 [sflag:s0], s1  }
0xb1: {  	s1 =	ssub.s32 @!p0 $0x0, s1;
	[sflag:s0] =	ssyncset.done @!p0 $0x0  }
0xb2: {  	[sflag:s0] =	ssyncadd.s32 @!p0 s1  }
0xb3: {  	[bflag:$0x3] =	sbarrier.arrive $0xFFFF  }
0xb4: {  	_ =	shalt  }

</sc_bundles>
